<compile_context>
chip_gen: v7x
topology: tpu7x:2x2x1
jax: 0.10.2.dev20260603
libtpu: 0.0.44.dev20260713+nightly
codegen_flags: <defaults>
</compile_context>

<pallas_src>
import jax
import jax.numpy as jnp
from jax import lax
from jax.experimental import pallas as pl
from jax.experimental.pallas import tpu as pltpu
from jax.experimental.pallas import tpu_sc as plsc

N = 10000
NP = 10240
E = 320000
EP = 323584
D = 128
OUT = 3
CH = 128
NSUB = 16
RPT = NP // NSUB
NCH_R = RPT // CH
EPS = EP // 2
EPT_A = EPS // NSUB
NCH_A = EPT_A // CH
EPT_D = EP // NSUB
NCH_D = EPT_D // CH

_f32 = jnp.float32


def _sc_mesh():
    return plsc.VectorSubcoreMesh(
        core_axis_name="c", subcore_axis_name="s", num_cores=2, num_subcores=16
    )



def _deg_call(nidx, ones128, zeros128):

    def body(nidx_ref, ones_ref, zeros_ref, out_ref, spm, ones_v, idx_v, buf_v):
        c = lax.axis_index("c")
        s = lax.axis_index("s")
        pltpu.sync_copy(zeros_ref, buf_v)
        for j in range(NCH_R):
            pltpu.sync_copy(buf_v, spm.at[pl.ds(s * RPT + j * CH, CH)])
        pltpu.sync_copy(ones_ref, ones_v)
        plsc.subcore_barrier()

        def chunk(j, carry):
            pltpu.sync_copy(
                nidx_ref.at[pl.ds(c * EP + s * EPT_D + j * CH, CH)], idx_v
            )
            pltpu.sync_copy(ones_v, spm.at[idx_v], add=True)
            return carry

        lax.fori_loop(0, NCH_D, chunk, 0)
        plsc.subcore_barrier()
        for j in range(NCH_R):
            pltpu.sync_copy(spm.at[pl.ds(s * RPT + j * CH, CH)], buf_v)
            pltpu.sync_copy(
                buf_v, out_ref.at[pl.ds(c * NP + s * RPT + j * CH, CH)]
            )

    return pl.kernel(
        body,
        out_type=jax.ShapeDtypeStruct((2 * NP, D), _f32),
        mesh=_sc_mesh(),
        scratch_types=[
            pltpu.VMEM_SHARED((NP, D), _f32),
            pltpu.VMEM((CH, D), _f32),
            pltpu.VMEM((CH,), jnp.int32),
            pltpu.VMEM((CH, D), _f32),
        ],
    )(nidx, ones128, zeros128)


def _agg_call(tbl, srcp, dstp, zeros128):

    def body(tbl_ref, src_ref, dst_ref, zeros_ref, out_ref,
             spm, isrc, idst, rows_v, sem):
        c = lax.axis_index("c")
        s = lax.axis_index("s")
        pltpu.sync_copy(zeros_ref, rows_v)
        for j in range(NCH_R):
            pltpu.sync_copy(rows_v, spm.at[pl.ds(s * RPT + j * CH, CH)])
        plsc.subcore_barrier()

        def chunk(j, carry):
            eb = c * EPS + s * EPT_A + j * CH
            pltpu.sync_copy(src_ref.at[pl.ds(eb, CH)], isrc)
            pltpu.sync_copy(dst_ref.at[pl.ds(eb, CH)], idst)
            pltpu.async_copy(tbl_ref.at[isrc], rows_v, sem).wait()
            pltpu.sync_copy(rows_v, spm.at[idst], add=True)
            return carry

        lax.fori_loop(0, NCH_A, chunk, 0)
        plsc.subcore_barrier()
        for j in range(NCH_R):
            pltpu.sync_copy(spm.at[pl.ds(s * RPT + j * CH, CH)], rows_v)
            pltpu.sync_copy(
                rows_v, out_ref.at[pl.ds(c * NP + s * RPT + j * CH, CH)]
            )

    return pl.kernel(
        body,
        out_type=jax.ShapeDtypeStruct((2 * NP, D), _f32),
        mesh=_sc_mesh(),
        scratch_types=[
            pltpu.VMEM_SHARED((NP, D), _f32),
            pltpu.VMEM((CH,), jnp.int32),
            pltpu.VMEM((CH,), jnp.int32),
            pltpu.VMEM((CH, D), _f32),
            pltpu.SemaphoreType.DMA,
        ],
    )(tbl, srcp, dstp, zeros128)



R = 512
GB = NP // R


def _dot(a, b):
    return jnp.dot(a, b, preferred_element_type=_f32,
                   precision=lax.Precision.HIGHEST)


def _tc1_call(xp, w_gcn, degd, degs):

    def body(x_ref, w_ref, dd_ref, ds_ref, g_ref, sc_ref):
        h = _dot(x_ref[...], w_ref[...])
        dinv = lax.rsqrt(dd_ref[:, 0:1] + 2.0)
        dl = ds_ref[:, 0:1]
        dinv_l = jnp.where(dl > 0.0, lax.rsqrt(jnp.maximum(dl, 1e-12)), 0.0)
        g_ref[...] = dinv * h
        cols = lax.broadcasted_iota(jnp.int32, (R, D), 1)
        sc_ref[...] = jnp.where(cols == 0, dinv,
                                jnp.where(cols == 1, dinv_l, 0.0))

    full = pl.BlockSpec((R, D), lambda i: (i, 0))
    return pl.pallas_call(
        body,
        grid=(GB,),
        in_specs=[
            full,
            pl.BlockSpec((D, D), lambda i: (0, 0)),
            full,
            full,
        ],
        out_specs=[full, full],
        out_shape=[
            jax.ShapeDtypeStruct((NP, D), _f32),
            jax.ShapeDtypeStruct((NP, D), _f32),
        ],
    )(xp, w_gcn, degd, degs)


def _tc2_call(pa0, pa1, g, sc, bg, wz0, wh0):

    def body(pa0_ref, pa1_ref, g_ref, sc_ref, bg_ref, wz0_ref, wh0_ref,
             u_ref, p_ref, q_ref):
        i = pl.program_id(0)
        dinv = sc_ref[:, 0:1]
        dinv_l = sc_ref[:, 1:2]
        agg = pa0_ref[...] + pa1_ref[...]
        x1 = jnp.maximum(dinv * agg + 2.0 * dinv * g_ref[...] + bg_ref[...],
                         0.0)
        rows = i * R + lax.broadcasted_iota(jnp.int32, (R, 1), 0)
        x1 = jnp.where(rows < N, x1, 0.0)
        u_ref[...] = dinv_l * x1
        p_ref[...] = _dot(x1, wz0_ref[...])
        q_ref[...] = _dot(x1, wh0_ref[...])

    full = pl.BlockSpec((R, D), lambda i: (i, 0))
    wspec = pl.BlockSpec((D, D), lambda i: (0, 0))
    return pl.pallas_call(
        body,
        grid=(GB,),
        in_specs=[full, full, full, full,
                  pl.BlockSpec((1, D), lambda i: (0, 0)), wspec, wspec],
        out_specs=[full, full, full],
        out_shape=[
            jax.ShapeDtypeStruct((NP, D), _f32),
            jax.ShapeDtypeStruct((NP, D), _f32),
            jax.ShapeDtypeStruct((NP, D), _f32),
        ],
    )(pa0, pa1, g, sc, bg, wz0, wh0)


def _tc3_call(t0, t1, sc, p, q, wz1, wh1, bz, bh, wl, bl):

    def body(t0_ref, t1_ref, sc_ref, p_ref, q_ref, wz1_ref, wh1_ref,
             bz_ref, bh_ref, wl_ref, bl_ref, o_ref):
        dinv_l = sc_ref[:, 1:2]
        t1 = -dinv_l * (t0_ref[...] + t1_ref[...])
        z = jax.nn.sigmoid(p_ref[...] + _dot(t1, wz1_ref[...]) + bz_ref[...])
        ht = jnp.tanh(q_ref[...] + _dot(t1, wh1_ref[...]) + bh_ref[...])
        x2 = jnp.maximum((1.0 - z) * ht, 0.0)
        o_ref[...] = _dot(x2, wl_ref[...]) + bl_ref[...]

    full = pl.BlockSpec((R, D), lambda i: (i, 0))
    wspec = pl.BlockSpec((D, D), lambda i: (0, 0))
    bspec = pl.BlockSpec((1, D), lambda i: (0, 0))
    return pl.pallas_call(
        body,
        grid=(GB,),
        in_specs=[full, full, full, full, full, wspec, wspec, bspec, bspec,
                  wspec, bspec],
        out_specs=full,
        out_shape=jax.ShapeDtypeStruct((NP, D), _f32),
    )(t0, t1, sc, p, q, wz1, wh1, bz, bh, wl, bl)



def kernel(x, edge_index, batch, W_gcn, b_gcn, Wz_x, bz_x, Wz_h, bz_h,
           Wr_x, br_x, Wr_h, br_h, Wh_x, bh_x, Wh_h, bh_h, W_lin, b_lin):
    xp = jnp.pad(x, ((0, NP - N), (0, 0)))
    src = edge_index[0]
    dst = edge_index[1]
    pad = jnp.full((EP - E,), NP - 1, dtype=jnp.int32)
    srcp = jnp.concatenate([src, pad])
    dstp = jnp.concatenate([dst, pad])
    nidx = jnp.concatenate([dstp, srcp])
    ones128 = jnp.ones((CH, D), _f32)
    zeros128 = jnp.zeros((CH, D), _f32)

    degtbl = _deg_call(nidx, ones128, zeros128)
    g, sc = _tc1_call(xp, W_gcn, degtbl[:NP], degtbl[NP:])

    part1 = _agg_call(g, srcp, dstp, zeros128)
    u, p, q = _tc2_call(part1[:NP], part1[NP:], g, sc,
                        b_gcn.reshape(1, D), Wz_x[0], Wh_x[0])

    part2 = _agg_call(u, srcp, dstp, zeros128)
    bz = (bz_x + bz_h).reshape(1, D)
    bh = (bh_x + bh_h).reshape(1, D)
    wl = jnp.pad(W_lin, ((0, 0), (0, D - OUT)))
    bl = jnp.pad(b_lin, (0, D - OUT)).reshape(1, D)
    outp = _tc3_call(part2[:NP], part2[NP:], sc, p, q, Wz_x[1], Wh_x[1],
                     bz, bh, wl, bl)
    return outp[:N, :OUT]

# --- scband reference (transcript-rebuilt; emitter-appended) ---
"""Pipeline reference for scband-social-stgcn-55224689492783 (READ-ONLY COPY).

The authoritative reference and input builder live on the scoring server;
editing this copy changes nothing except your own understanding.
"""

import jax, jax.numpy as jnp
import numpy as np

N = 10000
E = 320000
D = 128
OUT = 3
KCH = 2


def setup_inputs(seed: int = 0) -> dict:
    key = jax.random.key(seed)
    ks = jax.random.split(key, 16)

    def w(k, shape):
        return jax.random.normal(k, shape, dtype=jnp.float32) * 0.05

    inp = {}
    inp['x'] = jax.random.normal(ks[0], (N, D), dtype=jnp.float32)
    inp['edge_index'] = jax.random.randint(ks[1], (2, E), 0, N, dtype=jnp.int32)
    inp['batch'] = jnp.zeros((N,), dtype=jnp.int32)
    # GCNConv (improved=True) params
    inp['W_gcn'] = w(ks[2], (D, D))
    inp['b_gcn'] = jnp.zeros((D,), dtype=jnp.float32)
    # GConvGRU: 6 ChebConvs (x_z, h_z, x_r, h_r, x_h, h_h), each K=2 linears + bias
    inp['Wz_x'] = w(ks[3], (KCH, D, D)); inp['bz_x'] = jnp.zeros((D,), dtype=jnp.float32)
    inp['Wz_h'] = w(ks[4], (KCH, D, D)); inp['bz_h'] = jnp.zeros((D,), dtype=jnp.float32)
    inp['Wr_x'] = w(ks[5], (KCH, D, D)); inp['br_x'] = jnp.zeros((D,), dtype=jnp.float32)
    inp['Wr_h'] = w(ks[6], (KCH, D, D)); inp['br_h'] = jnp.zeros((D,), dtype=jnp.float32)
    inp['Wh_x'] = w(ks[7], (KCH, D, D)); inp['bh_x'] = jnp.zeros((D,), dtype=jnp.float32)
    inp['Wh_h'] = w(ks[8], (KCH, D, D)); inp['bh_h'] = jnp.zeros((D,), dtype=jnp.float32)
    # final Linear(D, 3)
    inp['W_lin'] = w(ks[9], (D, OUT)); inp['b_lin'] = jnp.zeros((OUT,), dtype=jnp.float32)
    return inp


def _gcn_improved(x, src, dst, W, b):
    # GCNConv(improved=True, normalize=True): A_hat = A + 2I
    n = x.shape[0]
    h = x @ W
    deg = jnp.zeros((n,), dtype=jnp.float32).at[dst].add(1.0) + 2.0
    dinv = jax.lax.rsqrt(deg)
    norm = dinv[src] * dinv[dst]
    agg = jnp.zeros_like(h).at[dst].add(norm[:, None] * h[src])
    agg = agg + (2.0 * dinv * dinv)[:, None] * h  # self-loop (weight 2)
    return agg + b


def _cheb(x, src, dst, lapw, W, b):
    # ChebConv K=2, sym norm, lambda_max=2: L_hat = -D^-1/2 A D^-1/2 (zero diagonal)
    out = x @ W[0]
    tx1 = jnp.zeros_like(x).at[dst].add(lapw[:, None] * x[src])
    out = out + tx1 @ W[1]
    return out + b


def reference(x, edge_index, batch, W_gcn, b_gcn, Wz_x, bz_x, Wz_h, bz_h, Wr_x, br_x, Wr_h, br_h, Wh_x, bh_x, Wh_h, bh_h, W_lin, b_lin):
    src = edge_index[0]
    dst = edge_index[1]
    n = x.shape[0]
    # (padding in original forward is a no-op when N >= input_feat and x has input_feat cols)
    x1 = jax.nn.relu(_gcn_improved(x, src, dst, W_gcn, b_gcn))
    # normalized Laplacian edge weights for ChebConv
    deg_l = jnp.zeros((n,), dtype=jnp.float32).at[src].add(1.0)
    dinv_l = jnp.where(deg_l > 0, jax.lax.rsqrt(jnp.maximum(deg_l, 1e-12)), 0.0)
    lapw = -dinv_l[src] * dinv_l[dst]
    # GConvGRU single step, H0 = 0
    H = jnp.zeros_like(x1)
    Z = jax.nn.sigmoid(_cheb(x1, src, dst, lapw, Wz_x, bz_x) + _cheb(H, src, dst, lapw, Wz_h, bz_h))
    R = jax.nn.sigmoid(_cheb(x1, src, dst, lapw, Wr_x, br_x) + _cheb(H, src, dst, lapw, Wr_h, br_h))
    Ht = jnp.tanh(_cheb(x1, src, dst, lapw, Wh_x, bh_x) + _cheb(H * R, src, dst, lapw, Wh_h, bh_h))
    Hn = Z * H + (1.0 - Z) * Ht
    x2 = jax.nn.relu(Hn)
    # Dropout is identity at inference
    return x2 @ W_lin + b_lin

if __name__ == "__main__":
    import jax
    _d = setup_inputs()
    print(jax.jit(kernel)(*tuple(_d.values())))

</pallas_src>

<mosaic_0001>
#map = affine_map<(d0, d1) -> (0, 0)>
#map1 = affine_map<(d0, d1) -> (0)>
module attributes {stable_mosaic.version = 14 : i64} {
  func.func @body(%arg0: i32, %arg1: i32, %arg2: memref<10240x128xf32, #tpu.memory_space<hbm>>, %arg3: memref<323584xi32, #tpu.memory_space<hbm>>, %arg4: memref<323584xi32, #tpu.memory_space<hbm>>, %arg5: memref<128x128xf32, #tpu.memory_space<hbm>>, %arg6: memref<20480x128xf32, #tpu.memory_space<hbm>>, %arg7: memref<10240x128xf32, #tpu.memory_space<vmem_shared>>, %arg8: memref<128xi32, #tpu.memory_space<vmem>>, %arg9: memref<128xi32, #tpu.memory_space<vmem>>, %arg10: memref<128x128xf32, #tpu.memory_space<vmem>>, %arg11: memref<!tpu.dma_semaphore, #tpu.memory_space<semaphore_mem>>) attributes {dimension_semantics = [#tpu.dimension_semantics<core_parallel>, #tpu.dimension_semantics<subcore_parallel>], iteration_bounds = array<i64: 2, 16>, scalar_prefetch = 0 : i64, scratch_operands = 5 : i64, tpu.core_type = #tpu.core_type<sc_vector_subcore>, window_params = [{transform_indices = #map}, {transform_indices = #map1}, {transform_indices = #map1}, {transform_indices = #map}, {transform_indices = #map}]} {
    "tpu.region"() ({
      %run_scoped3A = tpu.sem_alloc : memref<!tpu.dma_semaphore, #tpu.memory_space<semaphore_mem>>
      tpu.enqueue_dma source(%arg5 : memref<128x128xf32, #tpu.memory_space<hbm>>) target(%arg10 : memref<128x128xf32, #tpu.memory_space<vmem>>) target_semaphore(%run_scoped3A : memref<!tpu.dma_semaphore, #tpu.memory_space<semaphore_mem>>)
      tpu.wait_dma2 semaphore(%run_scoped3A : memref<!tpu.dma_semaphore, #tpu.memory_space<semaphore_mem>>) src(%arg5 : memref<128x128xf32, #tpu.memory_space<hbm>>) dst(%arg10 : memref<128x128xf32, #tpu.memory_space<vmem>>)
      tpu.yield
    }) : () -> ()
    %mul3A = arith.constant 640 : i32
    %mul3A_0 = arith.muli %arg1, %mul3A : i32
    %add3A = arith.constant 0 : i32
    %add3A_1 = arith.addi %mul3A_0, %add3A : i32
    "tpu.region"() ({
      %run_scoped3A = tpu.sem_alloc : memref<!tpu.dma_semaphore, #tpu.memory_space<semaphore_mem>>
      %dma_start3A = arith.constant 0 : i32
      %dma_start3A_79 = tpu.memref_slice %arg7[%add3A_1, %dma_start3A] : memref<10240x128xf32, #tpu.memory_space<vmem_shared>> -> memref<128x128xf32, #tpu.memory_space<vmem_shared>>
      %dma_start3A_80 = arith.constant 0 : i32
      %dma_start3A_81 = tpu.memref_slice %arg7[%add3A_1, %dma_start3A_80] : memref<10240x128xf32, #tpu.memory_space<vmem_shared>> -> memref<128x128xf32, #tpu.memory_space<vmem_shared>>
      tpu.enqueue_dma source(%arg10 : memref<128x128xf32, #tpu.memory_space<vmem>>) target(%dma_start3A_81 : memref<128x128xf32, #tpu.memory_space<vmem_shared>>) target_semaphore(%run_scoped3A : memref<!tpu.dma_semaphore, #tpu.memory_space<semaphore_mem>>)
      %dma_wait3A = arith.constant 0 : i32
      %dma_wait3A_82 = tpu.memref_slice %arg7[%add3A_1, %dma_wait3A] : memref<10240x128xf32, #tpu.memory_space<vmem_shared>> -> memref<128x128xf32, #tpu.memory_space<vmem_shared>>
      %dma_wait3A_83 = arith.constant 0 : i32
      %dma_wait3A_84 = tpu.memref_slice %arg7[%add3A_1, %dma_wait3A_83] : memref<10240x128xf32, #tpu.memory_space<vmem_shared>> -> memref<128x128xf32, #tpu.memory_space<vmem_shared>>
      tpu.wait_dma2 semaphore(%run_scoped3A : memref<!tpu.dma_semaphore, #tpu.memory_space<semaphore_mem>>) src(%arg10 : memref<128x128xf32, #tpu.memory_space<vmem>>) dst(%dma_wait3A_84 : memref<128x128xf32, #tpu.memory_space<vmem_shared>>)
      tpu.yield
    }) : () -> ()
    %mul3A_2 = arith.constant 640 : i32
    %mul3A_3 = arith.muli %arg1, %mul3A_2 : i32
    %add3A_4 = arith.constant 128 : i32
    %add3A_5 = arith.addi %mul3A_3, %add3A_4 : i32
    "tpu.region"() ({
      %run_scoped3A = tpu.sem_alloc : memref<!tpu.dma_semaphore, #tpu.memory_space<semaphore_mem>>
      %dma_start3A = arith.constant 0 : i32
      %dma_start3A_79 = tpu.memref_slice %arg7[%add3A_5, %dma_start3A] : memref<10240x128xf32, #tpu.memory_space<vmem_shared>> -> memref<128x128xf32, #tpu.memory_space<vmem_shared>>
      %dma_start3A_80 = arith.constant 0 : i32
      %dma_start3A_81 = tpu.memref_slice %arg7[%add3A_5, %dma_start3A_80] : memref<10240x128xf32, #tpu.memory_space<vmem_shared>> -> memref<128x128xf32, #tpu.memory_space<vmem_shared>>
      tpu.enqueue_dma source(%arg10 : memref<128x128xf32, #tpu.memory_space<vmem>>) target(%dma_start3A_81 : memref<128x128xf32, #tpu.memory_space<vmem_shared>>) target_semaphore(%run_scoped3A : memref<!tpu.dma_semaphore, #tpu.memory_space<semaphore_mem>>)
      %dma_wait3A = arith.constant 0 : i32
      %dma_wait3A_82 = tpu.memref_slice %arg7[%add3A_5, %dma_wait3A] : memref<10240x128xf32, #tpu.memory_space<vmem_shared>> -> memref<128x128xf32, #tpu.memory_space<vmem_shared>>
      %dma_wait3A_83 = arith.constant 0 : i32
      %dma_wait3A_84 = tpu.memref_slice %arg7[%add3A_5, %dma_wait3A_83] : memref<10240x128xf32, #tpu.memory_space<vmem_shared>> -> memref<128x128xf32, #tpu.memory_space<vmem_shared>>
      tpu.wait_dma2 semaphore(%run_scoped3A : memref<!tpu.dma_semaphore, #tpu.memory_space<semaphore_mem>>) src(%arg10 : memref<128x128xf32, #tpu.memory_space<vmem>>) dst(%dma_wait3A_84 : memref<128x128xf32, #tpu.memory_space<vmem_shared>>)
      tpu.yield
    }) : () -> ()
    %mul3A_6 = arith.constant 640 : i32
    %mul3A_7 = arith.muli %arg1, %mul3A_6 : i32
    %add3A_8 = arith.constant 256 : i32
    %add3A_9 = arith.addi %mul3A_7, %add3A_8 : i32
    "tpu.region"() ({
      %run_scoped3A = tpu.sem_alloc : memref<!tpu.dma_semaphore, #tpu.memory_space<semaphore_mem>>
      %dma_start3A = arith.constant 0 : i32
      %dma_start3A_79 = tpu.memref_slice %arg7[%add3A_9, %dma_start3A] : memref<10240x128xf32, #tpu.memory_space<vmem_shared>> -> memref<128x128xf32, #tpu.memory_space<vmem_shared>>
      %dma_start3A_80 = arith.constant 0 : i32
      %dma_start3A_81 = tpu.memref_slice %arg7[%add3A_9, %dma_start3A_80] : memref<10240x128xf32, #tpu.memory_space<vmem_shared>> -> memref<128x128xf32, #tpu.memory_space<vmem_shared>>
      tpu.enqueue_dma source(%arg10 : memref<128x128xf32, #tpu.memory_space<vmem>>) target(%dma_start3A_81 : memref<128x128xf32, #tpu.memory_space<vmem_shared>>) target_semaphore(%run_scoped3A : memref<!tpu.dma_semaphore, #tpu.memory_space<semaphore_mem>>)
      %dma_wait3A = arith.constant 0 : i32
      %dma_wait3A_82 = tpu.memref_slice %arg7[%add3A_9, %dma_wait3A] : memref<10240x128xf32, #tpu.memory_space<vmem_shared>> -> memref<128x128xf32, #tpu.memory_space<vmem_shared>>
      %dma_wait3A_83 = arith.constant 0 : i32
      %dma_wait3A_84 = tpu.memref_slice %arg7[%add3A_9, %dma_wait3A_83] : memref<10240x128xf32, #tpu.memory_space<vmem_shared>> -> memref<128x128xf32, #tpu.memory_space<vmem_shared>>
      tpu.wait_dma2 semaphore(%run_scoped3A : memref<!tpu.dma_semaphore, #tpu.memory_space<semaphore_mem>>) src(%arg10 : memref<128x128xf32, #tpu.memory_space<vmem>>) dst(%dma_wait3A_84 : memref<128x128xf32, #tpu.memory_space<vmem_shared>>)
      tpu.yield
    }) : () -> ()
    %mul3A_10 = arith.constant 640 : i32
    %mul3A_11 = arith.muli %arg1, %mul3A_10 : i32
    %add3A_12 = arith.constant 384 : i32
    %add3A_13 = arith.addi %mul3A_11, %add3A_12 : i32
    "tpu.region"() ({
      %run_scoped3A = tpu.sem_alloc : memref<!tpu.dma_semaphore, #tpu.memory_space<semaphore_mem>>
      %dma_start3A = arith.constant 0 : i32
      %dma_start3A_79 = tpu.memref_slice %arg7[%add3A_13, %dma_start3A] : memref<10240x128xf32, #tpu.memory_space<vmem_shared>> -> memref<128x128xf32, #tpu.memory_space<vmem_shared>>
      %dma_start3A_80 = arith.constant 0 : i32
      %dma_start3A_81 = tpu.memref_slice %arg7[%add3A_13, %dma_start3A_80] : memref<10240x128xf32, #tpu.memory_space<vmem_shared>> -> memref<128x128xf32, #tpu.memory_space<vmem_shared>>
      tpu.enqueue_dma source(%arg10 : memref<128x128xf32, #tpu.memory_space<vmem>>) target(%dma_start3A_81 : memref<128x128xf32, #tpu.memory_space<vmem_shared>>) target_semaphore(%run_scoped3A : memref<!tpu.dma_semaphore, #tpu.memory_space<semaphore_mem>>)
      %dma_wait3A = arith.constant 0 : i32
      %dma_wait3A_82 = tpu.memref_slice %arg7[%add3A_13, %dma_wait3A] : memref<10240x128xf32, #tpu.memory_space<vmem_shared>> -> memref<128x128xf32, #tpu.memory_space<vmem_shared>>
      %dma_wait3A_83 = arith.constant 0 : i32
      %dma_wait3A_84 = tpu.memref_slice %arg7[%add3A_13, %dma_wait3A_83] : memref<10240x128xf32, #tpu.memory_space<vmem_shared>> -> memref<128x128xf32, #tpu.memory_space<vmem_shared>>
      tpu.wait_dma2 semaphore(%run_scoped3A : memref<!tpu.dma_semaphore, #tpu.memory_space<semaphore_mem>>) src(%arg10 : memref<128x128xf32, #tpu.memory_space<vmem>>) dst(%dma_wait3A_84 : memref<128x128xf32, #tpu.memory_space<vmem_shared>>)
      tpu.yield
    }) : () -> ()
    %mul3A_14 = arith.constant 640 : i32
    %mul3A_15 = arith.muli %arg1, %mul3A_14 : i32
    %add3A_16 = arith.constant 512 : i32
    %add3A_17 = arith.addi %mul3A_15, %add3A_16 : i32
    "tpu.region"() ({
      %run_scoped3A = tpu.sem_alloc : memref<!tpu.dma_semaphore, #tpu.memory_space<semaphore_mem>>
      %dma_start3A = arith.constant 0 : i32
      %dma_start3A_79 = tpu.memref_slice %arg7[%add3A_17, %dma_start3A] : memref<10240x128xf32, #tpu.memory_space<vmem_shared>> -> memref<128x128xf32, #tpu.memory_space<vmem_shared>>
      %dma_start3A_80 = arith.constant 0 : i32
      %dma_start3A_81 = tpu.memref_slice %arg7[%add3A_17, %dma_start3A_80] : memref<10240x128xf32, #tpu.memory_space<vmem_shared>> -> memref<128x128xf32, #tpu.memory_space<vmem_shared>>
      tpu.enqueue_dma source(%arg10 : memref<128x128xf32, #tpu.memory_space<vmem>>) target(%dma_start3A_81 : memref<128x128xf32, #tpu.memory_space<vmem_shared>>) target_semaphore(%run_scoped3A : memref<!tpu.dma_semaphore, #tpu.memory_space<semaphore_mem>>)
      %dma_wait3A = arith.constant 0 : i32
      %dma_wait3A_82 = tpu.memref_slice %arg7[%add3A_17, %dma_wait3A] : memref<10240x128xf32, #tpu.memory_space<vmem_shared>> -> memref<128x128xf32, #tpu.memory_space<vmem_shared>>
      %dma_wait3A_83 = arith.constant 0 : i32
      %dma_wait3A_84 = tpu.memref_slice %arg7[%add3A_17, %dma_wait3A_83] : memref<10240x128xf32, #tpu.memory_space<vmem_shared>> -> memref<128x128xf32, #tpu.memory_space<vmem_shared>>
      tpu.wait_dma2 semaphore(%run_scoped3A : memref<!tpu.dma_semaphore, #tpu.memory_space<semaphore_mem>>) src(%arg10 : memref<128x128xf32, #tpu.memory_space<vmem>>) dst(%dma_wait3A_84 : memref<128x128xf32, #tpu.memory_space<vmem_shared>>)
      tpu.yield
    }) : () -> ()
    %barrier3A = arith.constant 0 : index
    tpu.barrier barrier_id(%barrier3A)
    %scan3A = arith.constant 0 : i32
    %scan3A_18 = arith.constant 0 : i32
    %scan3A_19 = arith.constant 79 : i32
    %scan3A_20 = arith.addi %scan3A_18, %scan3A_19 : i32
    %scan3A_21 = arith.constant 1 : i32
    scf.for %scan3A_79 = %scan3A_18 to %scan3A_20 step %scan3A_21  : i32 {
      %mul3A_80 = arith.constant 161792 : i32
      %mul3A_81 = arith.muli %arg0, %mul3A_80 : i32
      %mul3A_82 = arith.constant 10112 : i32
      %mul3A_83 = arith.muli %arg1, %mul3A_82 : i32
      %add3A_84 = arith.addi %mul3A_81, %mul3A_83 : i32
      %mul3A_85 = arith.constant 128 : i32
      %mul3A_86 = arith.muli %scan3A_79, %mul3A_85 : i32
      %add3A_87 = arith.addi %add3A_84, %mul3A_86 : i32
      "tpu.region"() ({
        %run_scoped3A = tpu.sem_alloc : memref<!tpu.dma_semaphore, #tpu.memory_space<semaphore_mem>>
        %dma_start3A_92 = tpu.memref_slice %arg3[%add3A_87] : memref<323584xi32, #tpu.memory_space<hbm>> -> memref<128xi32, #tpu.memory_space<hbm>>
        %dma_start3A_93 = tpu.memref_slice %arg3[%add3A_87] : memref<323584xi32, #tpu.memory_space<hbm>> -> memref<128xi32, #tpu.memory_space<hbm>>
        tpu.enqueue_dma source(%dma_start3A_93 : memref<128xi32, #tpu.memory_space<hbm>>) target(%arg8 : memref<128xi32, #tpu.memory_space<vmem>>) target_semaphore(%run_scoped3A : memref<!tpu.dma_semaphore, #tpu.memory_space<semaphore_mem>>)
        %dma_wait3A_94 = tpu.memref_slice %arg3[%add3A_87] : memref<323584xi32, #tpu.memory_space<hbm>> -> memref<128xi32, #tpu.memory_space<hbm>>
        %dma_wait3A_95 = tpu.memref_slice %arg3[%add3A_87] : memref<323584xi32, #tpu.memory_space<hbm>> -> memref<128xi32, #tpu.memory_space<hbm>>
        tpu.wait_dma2 semaphore(%run_scoped3A : memref<!tpu.dma_semaphore, #tpu.memory_space<semaphore_mem>>) src(%dma_wait3A_95 : memref<128xi32, #tpu.memory_space<hbm>>) dst(%arg8 : memref<128xi32, #tpu.memory_space<vmem>>)
        tpu.yield
      }) : () -> ()
      "tpu.region"() ({
        %run_scoped3A = tpu.sem_alloc : memref<!tpu.dma_semaphore, #tpu.memory_space<semaphore_mem>>
        %dma_start3A_92 = tpu.memref_slice %arg4[%add3A_87] : memref<323584xi32, #tpu.memory_space<hbm>> -> memref<128xi32, #tpu.memory_space<hbm>>
        %dma_start3A_93 = tpu.memref_slice %arg4[%add3A_87] : memref<323584xi32, #tpu.memory_space<hbm>> -> memref<128xi32, #tpu.memory_space<hbm>>
        tpu.enqueue_dma source(%dma_start3A_93 : memref<128xi32, #tpu.memory_space<hbm>>) target(%arg9 : memref<128xi32, #tpu.memory_space<vmem>>) target_semaphore(%run_scoped3A : memref<!tpu.dma_semaphore, #tpu.memory_space<semaphore_mem>>)
        %dma_wait3A_94 = tpu.memref_slice %arg4[%add3A_87] : memref<323584xi32, #tpu.memory_space<hbm>> -> memref<128xi32, #tpu.memory_space<hbm>>
        %dma_wait3A_95 = tpu.memref_slice %arg4[%add3A_87] : memref<323584xi32, #tpu.memory_space<hbm>> -> memref<128xi32, #tpu.memory_space<hbm>>
        tpu.wait_dma2 semaphore(%run_scoped3A : memref<!tpu.dma_semaphore, #tpu.memory_space<semaphore_mem>>) src(%dma_wait3A_95 : memref<128xi32, #tpu.memory_space<hbm>>) dst(%arg9 : memref<128xi32, #tpu.memory_space<vmem>>)
        tpu.yield
      }) : () -> ()
      %dma_start3A = arith.constant 0 : i32
      %dma_start3A_88 = arith.constant 0 : i32
      %dma_start3A_89 = tpu.memref_slice %arg2[%dma_start3A, %dma_start3A_88] : memref<10240x128xf32, #tpu.memory_space<hbm>> -> memref<10240x128xf32, #tpu.memory_space<hbm>>
      tpu.enqueue_indirect_dma source(%dma_start3A_89 : memref<10240x128xf32, #tpu.memory_space<hbm>>) target(%arg10 : memref<128x128xf32, #tpu.memory_space<vmem>>) offsets(%arg8 : memref<128xi32, #tpu.memory_space<vmem>>) semaphore(%arg11 : memref<!tpu.dma_semaphore, #tpu.memory_space<semaphore_mem>>)
      %dma_wait3A = arith.constant 0 : i32
      %dma_wait3A_90 = arith.constant 0 : i32
      %dma_wait3A_91 = tpu.memref_slice %arg2[%dma_wait3A, %dma_wait3A_90] : memref<10240x128xf32, #tpu.memory_space<hbm>> -> memref<10240x128xf32, #tpu.memory_space<hbm>>
      tpu.wait_indirect_dma semaphore(%arg11 : memref<!tpu.dma_semaphore, #tpu.memory_space<semaphore_mem>>) src(%dma_wait3A_91 : memref<10240x128xf32, #tpu.memory_space<hbm>>) dst(%arg10 : memref<128x128xf32, #tpu.memory_space<vmem>>)
      "tpu.region"() ({
        %run_scoped3A = tpu.sem_alloc : memref<!tpu.dma_semaphore, #tpu.memory_space<semaphore_mem>>
        %dma_start3A_92 = arith.constant 0 : i32
        %dma_start3A_93 = arith.constant 0 : i32
        %dma_start3A_94 = tpu.memref_slice %arg7[%dma_start3A_92, %dma_start3A_93] : memref<10240x128xf32, #tpu.memory_space<vmem_shared>> -> memref<10240x128xf32, #tpu.memory_space<vmem_shared>>
        tpu.enqueue_indirect_dma source(%arg10 : memref<128x128xf32, #tpu.memory_space<vmem>>) target(%dma_start3A_94 : memref<10240x128xf32, #tpu.memory_space<vmem_shared>>) offsets(%arg9 : memref<128xi32, #tpu.memory_space<vmem>>) semaphore(%run_scoped3A : memref<!tpu.dma_semaphore, #tpu.memory_space<semaphore_mem>>) {add = true}
        %dma_wait3A_95 = arith.constant 0 : i32
        %dma_wait3A_96 = arith.constant 0 : i32
        %dma_wait3A_97 = tpu.memref_slice %arg7[%dma_wait3A_95, %dma_wait3A_96] : memref<10240x128xf32, #tpu.memory_space<vmem_shared>> -> memref<10240x128xf32, #tpu.memory_space<vmem_shared>>
        tpu.wait_indirect_dma semaphore(%run_scoped3A : memref<!tpu.dma_semaphore, #tpu.memory_space<semaphore_mem>>) src(%arg10 : memref<128x128xf32, #tpu.memory_space<vmem>>) dst(%dma_wait3A_97 : memref<10240x128xf32, #tpu.memory_space<vmem_shared>>)
        tpu.yield
      }) : () -> ()
    }
    %scan3A_22 = arith.constant 79 : i32
    %barrier3A_23 = arith.constant 0 : index
    tpu.barrier barrier_id(%barrier3A_23)
    %mul3A_24 = arith.constant 640 : i32
    %mul3A_25 = arith.muli %arg1, %mul3A_24 : i32
    %add3A_26 = arith.constant 0 : i32
    %add3A_27 = arith.addi %mul3A_25, %add3A_26 : i32
    "tpu.region"() ({
      %run_scoped3A = tpu.sem_alloc : memref<!tpu.dma_semaphore, #tpu.memory_space<semaphore_mem>>
      %dma_start3A = arith.constant 0 : i32
      %dma_start3A_79 = tpu.memref_slice %arg7[%add3A_27, %dma_start3A] : memref<10240x128xf32, #tpu.memory_space<vmem_shared>> -> memref<128x128xf32, #tpu.memory_space<vmem_shared>>
      %dma_start3A_80 = arith.constant 0 : i32
      %dma_start3A_81 = tpu.memref_slice %arg7[%add3A_27, %dma_start3A_80] : memref<10240x128xf32, #tpu.memory_space<vmem_shared>> -> memref<128x128xf32, #tpu.memory_space<vmem_shared>>
      tpu.enqueue_dma source(%dma_start3A_81 : memref<128x128xf32, #tpu.memory_space<vmem_shared>>) target(%arg10 : memref<128x128xf32, #tpu.memory_space<vmem>>) target_semaphore(%run_scoped3A : memref<!tpu.dma_semaphore, #tpu.memory_space<semaphore_mem>>)
      %dma_wait3A = arith.constant 0 : i32
      %dma_wait3A_82 = tpu.memref_slice %arg7[%add3A_27, %dma_wait3A] : memref<10240x128xf32, #tpu.memory_space<vmem_shared>> -> memref<128x128xf32, #tpu.memory_space<vmem_shared>>
      %dma_wait3A_83 = arith.constant 0 : i32
      %dma_wait3A_84 = tpu.memref_slice %arg7[%add3A_27, %dma_wait3A_83] : memref<10240x128xf32, #tpu.memory_space<vmem_shared>> -> memref<128x128xf32, #tpu.memory_space<vmem_shared>>
      tpu.wait_dma2 semaphore(%run_scoped3A : memref<!tpu.dma_semaphore, #tpu.memory_space<semaphore_mem>>) src(%dma_wait3A_84 : memref<128x128xf32, #tpu.memory_space<vmem_shared>>) dst(%arg10 : memref<128x128xf32, #tpu.memory_space<vmem>>)
      tpu.yield
    }) : () -> ()
    %mul3A_28 = arith.constant 10240 : i32
    %mul3A_29 = arith.muli %arg0, %mul3A_28 : i32
    %mul3A_30 = arith.constant 640 : i32
    %mul3A_31 = arith.muli %arg1, %mul3A_30 : i32
    %add3A_32 = arith.addi %mul3A_29, %mul3A_31 : i32
    %add3A_33 = arith.constant 0 : i32
    %add3A_34 = arith.addi %add3A_32, %add3A_33 : i32
    "tpu.region"() ({
      %run_scoped3A = tpu.sem_alloc : memref<!tpu.dma_semaphore, #tpu.memory_space<semaphore_mem>>
      %dma_start3A = arith.constant 0 : i32
      %dma_start3A_79 = tpu.memref_slice %arg6[%add3A_34, %dma_start3A] : memref<20480x128xf32, #tpu.memory_space<hbm>> -> memref<128x128xf32, #tpu.memory_space<hbm>>
      %dma_start3A_80 = arith.constant 0 : i32
      %dma_start3A_81 = tpu.memref_slice %arg6[%add3A_34, %dma_start3A_80] : memref<20480x128xf32, #tpu.memory_space<hbm>> -> memref<128x128xf32, #tpu.memory_space<hbm>>
      tpu.enqueue_dma source(%arg10 : memref<128x128xf32, #tpu.memory_space<vmem>>) target(%dma_start3A_81 : memref<128x128xf32, #tpu.memory_space<hbm>>) target_semaphore(%run_scoped3A : memref<!tpu.dma_semaphore, #tpu.memory_space<semaphore_mem>>)
      %dma_wait3A = arith.constant 0 : i32
      %dma_wait3A_82 = tpu.memref_slice %arg6[%add3A_34, %dma_wait3A] : memref<20480x128xf32, #tpu.memory_space<hbm>> -> memref<128x128xf32, #tpu.memory_space<hbm>>
      %dma_wait3A_83 = arith.constant 0 : i32
      %dma_wait3A_84 = tpu.memref_slice %arg6[%add3A_34, %dma_wait3A_83] : memref<20480x128xf32, #tpu.memory_space<hbm>> -> memref<128x128xf32, #tpu.memory_space<hbm>>
      tpu.wait_dma2 semaphore(%run_scoped3A : memref<!tpu.dma_semaphore, #tpu.memory_space<semaphore_mem>>) src(%arg10 : memref<128x128xf32, #tpu.memory_space<vmem>>) dst(%dma_wait3A_84 : memref<128x128xf32, #tpu.memory_space<hbm>>)
      tpu.yield
    }) : () -> ()
    %mul3A_35 = arith.constant 640 : i32
    %mul3A_36 = arith.muli %arg1, %mul3A_35 : i32
    %add3A_37 = arith.constant 128 : i32
    %add3A_38 = arith.addi %mul3A_36, %add3A_37 : i32
    "tpu.region"() ({
      %run_scoped3A = tpu.sem_alloc : memref<!tpu.dma_semaphore, #tpu.memory_space<semaphore_mem>>
      %dma_start3A = arith.constant 0 : i32
      %dma_start3A_79 = tpu.memref_slice %arg7[%add3A_38, %dma_start3A] : memref<10240x128xf32, #tpu.memory_space<vmem_shared>> -> memref<128x128xf32, #tpu.memory_space<vmem_shared>>
      %dma_start3A_80 = arith.constant 0 : i32
      %dma_start3A_81 = tpu.memref_slice %arg7[%add3A_38, %dma_start3A_80] : memref<10240x128xf32, #tpu.memory_space<vmem_shared>> -> memref<128x128xf32, #tpu.memory_space<vmem_shared>>
      tpu.enqueue_dma source(%dma_start3A_81 : memref<128x128xf32, #tpu.memory_space<vmem_shared>>) target(%arg10 : memref<128x128xf32, #tpu.memory_space<vmem>>) target_semaphore(%run_scoped3A : memref<!tpu.dma_semaphore, #tpu.memory_space<semaphore_mem>>)
      %dma_wait3A = arith.constant 0 : i32
      %dma_wait3A_82 = tpu.memref_slice %arg7[%add3A_38, %dma_wait3A] : memref<10240x128xf32, #tpu.memory_space<vmem_shared>> -> memref<128x128xf32, #tpu.memory_space<vmem_shared>>
      %dma_wait3A_83 = arith.constant 0 : i32
      %dma_wait3A_84 = tpu.memref_slice %arg7[%add3A_38, %dma_wait3A_83] : memref<10240x128xf32, #tpu.memory_space<vmem_shared>> -> memref<128x128xf32, #tpu.memory_space<vmem_shared>>
      tpu.wait_dma2 semaphore(%run_scoped3A : memref<!tpu.dma_semaphore, #tpu.memory_space<semaphore_mem>>) src(%dma_wait3A_84 : memref<128x128xf32, #tpu.memory_space<vmem_shared>>) dst(%arg10 : memref<128x128xf32, #tpu.memory_space<vmem>>)
      tpu.yield
    }) : () -> ()
    %mul3A_39 = arith.constant 10240 : i32
    %mul3A_40 = arith.muli %arg0, %mul3A_39 : i32
    %mul3A_41 = arith.constant 640 : i32
    %mul3A_42 = arith.muli %arg1, %mul3A_41 : i32
    %add3A_43 = arith.addi %mul3A_40, %mul3A_42 : i32
    %add3A_44 = arith.constant 128 : i32
    %add3A_45 = arith.addi %add3A_43, %add3A_44 : i32
    "tpu.region"() ({
      %run_scoped3A = tpu.sem_alloc : memref<!tpu.dma_semaphore, #tpu.memory_space<semaphore_mem>>
      %dma_start3A = arith.constant 0 : i32
      %dma_start3A_79 = tpu.memref_slice %arg6[%add3A_45, %dma_start3A] : memref<20480x128xf32, #tpu.memory_space<hbm>> -> memref<128x128xf32, #tpu.memory_space<hbm>>
      %dma_start3A_80 = arith.constant 0 : i32
      %dma_start3A_81 = tpu.memref_slice %arg6[%add3A_45, %dma_start3A_80] : memref<20480x128xf32, #tpu.memory_space<hbm>> -> memref<128x128xf32, #tpu.memory_space<hbm>>
      tpu.enqueue_dma source(%arg10 : memref<128x128xf32, #tpu.memory_space<vmem>>) target(%dma_start3A_81 : memref<128x128xf32, #tpu.memory_space<hbm>>) target_semaphore(%run_scoped3A : memref<!tpu.dma_semaphore, #tpu.memory_space<semaphore_mem>>)
      %dma_wait3A = arith.constant 0 : i32
      %dma_wait3A_82 = tpu.memref_slice %arg6[%add3A_45, %dma_wait3A] : memref<20480x128xf32, #tpu.memory_space<hbm>> -> memref<128x128xf32, #tpu.memory_space<hbm>>
      %dma_wait3A_83 = arith.constant 0 : i32
      %dma_wait3A_84 = tpu.memref_slice %arg6[%add3A_45, %dma_wait3A_83] : memref<20480x128xf32, #tpu.memory_space<hbm>> -> memref<128x128xf32, #tpu.memory_space<hbm>>
      tpu.wait_dma2 semaphore(%run_scoped3A : memref<!tpu.dma_semaphore, #tpu.memory_space<semaphore_mem>>) src(%arg10 : memref<128x128xf32, #tpu.memory_space<vmem>>) dst(%dma_wait3A_84 : memref<128x128xf32, #tpu.memory_space<hbm>>)
      tpu.yield
    }) : () -> ()
    %mul3A_46 = arith.constant 640 : i32
    %mul3A_47 = arith.muli %arg1, %mul3A_46 : i32
    %add3A_48 = arith.constant 256 : i32
    %add3A_49 = arith.addi %mul3A_47, %add3A_48 : i32
    "tpu.region"() ({
      %run_scoped3A = tpu.sem_alloc : memref<!tpu.dma_semaphore, #tpu.memory_space<semaphore_mem>>
      %dma_start3A = arith.constant 0 : i32
      %dma_start3A_79 = tpu.memref_slice %arg7[%add3A_49, %dma_start3A] : memref<10240x128xf32, #tpu.memory_space<vmem_shared>> -> memref<128x128xf32, #tpu.memory_space<vmem_shared>>
      %dma_start3A_80 = arith.constant 0 : i32
      %dma_start3A_81 = tpu.memref_slice %arg7[%add3A_49, %dma_start3A_80] : memref<10240x128xf32, #tpu.memory_space<vmem_shared>> -> memref<128x128xf32, #tpu.memory_space<vmem_shared>>
      tpu.enqueue_dma source(%dma_start3A_81 : memref<128x128xf32, #tpu.memory_space<vmem_shared>>) target(%arg10 : memref<128x128xf32, #tpu.memory_space<vmem>>) target_semaphore(%run_scoped3A : memref<!tpu.dma_semaphore, #tpu.memory_space<semaphore_mem>>)
      %dma_wait3A = arith.constant 0 : i32
      %dma_wait3A_82 = tpu.memref_slice %arg7[%add3A_49, %dma_wait3A] : memref<10240x128xf32, #tpu.memory_space<vmem_shared>> -> memref<128x128xf32, #tpu.memory_space<vmem_shared>>
      %dma_wait3A_83 = arith.constant 0 : i32
      %dma_wait3A_84 = tpu.memref_slice %arg7[%add3A_49, %dma_wait3A_83] : memref<10240x128xf32, #tpu.memory_space<vmem_shared>> -> memref<128x128xf32, #tpu.memory_space<vmem_shared>>
      tpu.wait_dma2 semaphore(%run_scoped3A : memref<!tpu.dma_semaphore, #tpu.memory_space<semaphore_mem>>) src(%dma_wait3A_84 : memref<128x128xf32, #tpu.memory_space<vmem_shared>>) dst(%arg10 : memref<128x128xf32, #tpu.memory_space<vmem>>)
      tpu.yield
    }) : () -> ()
    %mul3A_50 = arith.constant 10240 : i32
    %mul3A_51 = arith.muli %arg0, %mul3A_50 : i32
    %mul3A_52 = arith.constant 640 : i32
    %mul3A_53 = arith.muli %arg1, %mul3A_52 : i32
    %add3A_54 = arith.addi %mul3A_51, %mul3A_53 : i32
    %add3A_55 = arith.constant 256 : i32
    %add3A_56 = arith.addi %add3A_54, %add3A_55 : i32
    "tpu.region"() ({
      %run_scoped3A = tpu.sem_alloc : memref<!tpu.dma_semaphore, #tpu.memory_space<semaphore_mem>>
      %dma_start3A = arith.constant 0 : i32
      %dma_start3A_79 = tpu.memref_slice %arg6[%add3A_56, %dma_start3A] : memref<20480x128xf32, #tpu.memory_space<hbm>> -> memref<128x128xf32, #tpu.memory_space<hbm>>
      %dma_start3A_80 = arith.constant 0 : i32
      %dma_start3A_81 = tpu.memref_slice %arg6[%add3A_56, %dma_start3A_80] : memref<20480x128xf32, #tpu.memory_space<hbm>> -> memref<128x128xf32, #tpu.memory_space<hbm>>
      tpu.enqueue_dma source(%arg10 : memref<128x128xf32, #tpu.memory_space<vmem>>) target(%dma_start3A_81 : memref<128x128xf32, #tpu.memory_space<hbm>>) target_semaphore(%run_scoped3A : memref<!tpu.dma_semaphore, #tpu.memory_space<semaphore_mem>>)
      %dma_wait3A = arith.constant 0 : i32
      %dma_wait3A_82 = tpu.memref_slice %arg6[%add3A_56, %dma_wait3A] : memref<20480x128xf32, #tpu.memory_space<hbm>> -> memref<128x128xf32, #tpu.memory_space<hbm>>
      %dma_wait3A_83 = arith.constant 0 : i32
      %dma_wait3A_84 = tpu.memref_slice %arg6[%add3A_56, %dma_wait3A_83] : memref<20480x128xf32, #tpu.memory_space<hbm>> -> memref<128x128xf32, #tpu.memory_space<hbm>>
      tpu.wait_dma2 semaphore(%run_scoped3A : memref<!tpu.dma_semaphore, #tpu.memory_space<semaphore_mem>>) src(%arg10 : memref<128x128xf32, #tpu.memory_space<vmem>>) dst(%dma_wait3A_84 : memref<128x128xf32, #tpu.memory_space<hbm>>)
      tpu.yield
    }) : () -> ()
    %mul3A_57 = arith.constant 640 : i32
    %mul3A_58 = arith.muli %arg1, %mul3A_57 : i32
    %add3A_59 = arith.constant 384 : i32
    %add3A_60 = arith.addi %mul3A_58, %add3A_59 : i32
    "tpu.region"() ({
      %run_scoped3A = tpu.sem_alloc : memref<!tpu.dma_semaphore, #tpu.memory_space<semaphore_mem>>
      %dma_start3A = arith.constant 0 : i32
      %dma_start3A_79 = tpu.memref_slice %arg7[%add3A_60, %dma_start3A] : memref<10240x128xf32, #tpu.memory_space<vmem_shared>> -> memref<128x128xf32, #tpu.memory_space<vmem_shared>>
      %dma_start3A_80 = arith.constant 0 : i32
      %dma_start3A_81 = tpu.memref_slice %arg7[%add3A_60, %dma_start3A_80] : memref<10240x128xf32, #tpu.memory_space<vmem_shared>> -> memref<128x128xf32, #tpu.memory_space<vmem_shared>>
      tpu.enqueue_dma source(%dma_start3A_81 : memref<128x128xf32, #tpu.memory_space<vmem_shared>>) target(%arg10 : memref<128x128xf32, #tpu.memory_space<vmem>>) target_semaphore(%run_scoped3A : memref<!tpu.dma_semaphore, #tpu.memory_space<semaphore_mem>>)
      %dma_wait3A = arith.constant 0 : i32
      %dma_wait3A_82 = tpu.memref_slice %arg7[%add3A_60, %dma_wait3A] : memref<10240x128xf32, #tpu.memory_space<vmem_shared>> -> memref<128x128xf32, #tpu.memory_space<vmem_shared>>
      %dma_wait3A_83 = arith.constant 0 : i32
      %dma_wait3A_84 = tpu.memref_slice %arg7[%add3A_60, %dma_wait3A_83] : memref<10240x128xf32, #tpu.memory_space<vmem_shared>> -> memref<128x128xf32, #tpu.memory_space<vmem_shared>>
      tpu.wait_dma2 semaphore(%run_scoped3A : memref<!tpu.dma_semaphore, #tpu.memory_space<semaphore_mem>>) src(%dma_wait3A_84 : memref<128x128xf32, #tpu.memory_space<vmem_shared>>) dst(%arg10 : memref<128x128xf32, #tpu.memory_space<vmem>>)
      tpu.yield
    }) : () -> ()
    %mul3A_61 = arith.constant 10240 : i32
    %mul3A_62 = arith.muli %arg0, %mul3A_61 : i32
    %mul3A_63 = arith.constant 640 : i32
    %mul3A_64 = arith.muli %arg1, %mul3A_63 : i32
    %add3A_65 = arith.addi %mul3A_62, %mul3A_64 : i32
    %add3A_66 = arith.constant 384 : i32
    %add3A_67 = arith.addi %add3A_65, %add3A_66 : i32
    "tpu.region"() ({
      %run_scoped3A = tpu.sem_alloc : memref<!tpu.dma_semaphore, #tpu.memory_space<semaphore_mem>>
      %dma_start3A = arith.constant 0 : i32
      %dma_start3A_79 = tpu.memref_slice %arg6[%add3A_67, %dma_start3A] : memref<20480x128xf32, #tpu.memory_space<hbm>> -> memref<128x128xf32, #tpu.memory_space<hbm>>
      %dma_start3A_80 = arith.constant 0 : i32
      %dma_start3A_81 = tpu.memref_slice %arg6[%add3A_67, %dma_start3A_80] : memref<20480x128xf32, #tpu.memory_space<hbm>> -> memref<128x128xf32, #tpu.memory_space<hbm>>
      tpu.enqueue_dma source(%arg10 : memref<128x128xf32, #tpu.memory_space<vmem>>) target(%dma_start3A_81 : memref<128x128xf32, #tpu.memory_space<hbm>>) target_semaphore(%run_scoped3A : memref<!tpu.dma_semaphore, #tpu.memory_space<semaphore_mem>>)
      %dma_wait3A = arith.constant 0 : i32
      %dma_wait3A_82 = tpu.memref_slice %arg6[%add3A_67, %dma_wait3A] : memref<20480x128xf32, #tpu.memory_space<hbm>> -> memref<128x128xf32, #tpu.memory_space<hbm>>
      %dma_wait3A_83 = arith.constant 0 : i32
      %dma_wait3A_84 = tpu.memref_slice %arg6[%add3A_67, %dma_wait3A_83] : memref<20480x128xf32, #tpu.memory_space<hbm>> -> memref<128x128xf32, #tpu.memory_space<hbm>>
      tpu.wait_dma2 semaphore(%run_scoped3A : memref<!tpu.dma_semaphore, #tpu.memory_space<semaphore_mem>>) src(%arg10 : memref<128x128xf32, #tpu.memory_space<vmem>>) dst(%dma_wait3A_84 : memref<128x128xf32, #tpu.memory_space<hbm>>)
      tpu.yield
    }) : () -> ()
    %mul3A_68 = arith.constant 640 : i32
    %mul3A_69 = arith.muli %arg1, %mul3A_68 : i32
    %add3A_70 = arith.constant 512 : i32
    %add3A_71 = arith.addi %mul3A_69, %add3A_70 : i32
    "tpu.region"() ({
      %run_scoped3A = tpu.sem_alloc : memref<!tpu.dma_semaphore, #tpu.memory_space<semaphore_mem>>
      %dma_start3A = arith.constant 0 : i32
      %dma_start3A_79 = tpu.memref_slice %arg7[%add3A_71, %dma_start3A] : memref<10240x128xf32, #tpu.memory_space<vmem_shared>> -> memref<128x128xf32, #tpu.memory_space<vmem_shared>>
      %dma_start3A_80 = arith.constant 0 : i32
      %dma_start3A_81 = tpu.memref_slice %arg7[%add3A_71, %dma_start3A_80] : memref<10240x128xf32, #tpu.memory_space<vmem_shared>> -> memref<128x128xf32, #tpu.memory_space<vmem_shared>>
      tpu.enqueue_dma source(%dma_start3A_81 : memref<128x128xf32, #tpu.memory_space<vmem_shared>>) target(%arg10 : memref<128x128xf32, #tpu.memory_space<vmem>>) target_semaphore(%run_scoped3A : memref<!tpu.dma_semaphore, #tpu.memory_space<semaphore_mem>>)
      %dma_wait3A = arith.constant 0 : i32
      %dma_wait3A_82 = tpu.memref_slice %arg7[%add3A_71, %dma_wait3A] : memref<10240x128xf32, #tpu.memory_space<vmem_shared>> -> memref<128x128xf32, #tpu.memory_space<vmem_shared>>
      %dma_wait3A_83 = arith.constant 0 : i32
      %dma_wait3A_84 = tpu.memref_slice %arg7[%add3A_71, %dma_wait3A_83] : memref<10240x128xf32, #tpu.memory_space<vmem_shared>> -> memref<128x128xf32, #tpu.memory_space<vmem_shared>>
      tpu.wait_dma2 semaphore(%run_scoped3A : memref<!tpu.dma_semaphore, #tpu.memory_space<semaphore_mem>>) src(%dma_wait3A_84 : memref<128x128xf32, #tpu.memory_space<vmem_shared>>) dst(%arg10 : memref<128x128xf32, #tpu.memory_space<vmem>>)
      tpu.yield
    }) : () -> ()
    %mul3A_72 = arith.constant 10240 : i32
    %mul3A_73 = arith.muli %arg0, %mul3A_72 : i32
    %mul3A_74 = arith.constant 640 : i32
    %mul3A_75 = arith.muli %arg1, %mul3A_74 : i32
    %add3A_76 = arith.addi %mul3A_73, %mul3A_75 : i32
    %add3A_77 = arith.constant 512 : i32
    %add3A_78 = arith.addi %add3A_76, %add3A_77 : i32
    "tpu.region"() ({
      %run_scoped3A = tpu.sem_alloc : memref<!tpu.dma_semaphore, #tpu.memory_space<semaphore_mem>>
      %dma_start3A = arith.constant 0 : i32
      %dma_start3A_79 = tpu.memref_slice %arg6[%add3A_78, %dma_start3A] : memref<20480x128xf32, #tpu.memory_space<hbm>> -> memref<128x128xf32, #tpu.memory_space<hbm>>
      %dma_start3A_80 = arith.constant 0 : i32
      %dma_start3A_81 = tpu.memref_slice %arg6[%add3A_78, %dma_start3A_80] : memref<20480x128xf32, #tpu.memory_space<hbm>> -> memref<128x128xf32, #tpu.memory_space<hbm>>
      tpu.enqueue_dma source(%arg10 : memref<128x128xf32, #tpu.memory_space<vmem>>) target(%dma_start3A_81 : memref<128x128xf32, #tpu.memory_space<hbm>>) target_semaphore(%run_scoped3A : memref<!tpu.dma_semaphore, #tpu.memory_space<semaphore_mem>>)
      %dma_wait3A = arith.constant 0 : i32
      %dma_wait3A_82 = tpu.memref_slice %arg6[%add3A_78, %dma_wait3A] : memref<20480x128xf32, #tpu.memory_space<hbm>> -> memref<128x128xf32, #tpu.memory_space<hbm>>
      %dma_wait3A_83 = arith.constant 0 : i32
      %dma_wait3A_84 = tpu.memref_slice %arg6[%add3A_78, %dma_wait3A_83] : memref<20480x128xf32, #tpu.memory_space<hbm>> -> memref<128x128xf32, #tpu.memory_space<hbm>>
      tpu.wait_dma2 semaphore(%run_scoped3A : memref<!tpu.dma_semaphore, #tpu.memory_space<semaphore_mem>>) src(%arg10 : memref<128x128xf32, #tpu.memory_space<vmem>>) dst(%dma_wait3A_84 : memref<128x128xf32, #tpu.memory_space<hbm>>)
      tpu.yield
    }) : () -> ()
    return
  }
}

#map = affine_map<(d0, d1) -> (0)>
#map1 = affine_map<(d0, d1) -> (0, 0)>
module attributes {stable_mosaic.version = 14 : i64} {
  func.func @body(%arg0: i32, %arg1: i32, %arg2: memref<647168xi32, #tpu.memory_space<hbm>>, %arg3: memref<128x128xf32, #tpu.memory_space<hbm>>, %arg4: memref<128x128xf32, #tpu.memory_space<hbm>>, %arg5: memref<20480x128xf32, #tpu.memory_space<hbm>>, %arg6: memref<10240x128xf32, #tpu.memory_space<vmem_shared>>, %arg7: memref<128x128xf32, #tpu.memory_space<vmem>>, %arg8: memref<128xi32, #tpu.memory_space<vmem>>, %arg9: memref<128x128xf32, #tpu.memory_space<vmem>>) attributes {dimension_semantics = [#tpu.dimension_semantics<core_parallel>, #tpu.dimension_semantics<subcore_parallel>], iteration_bounds = array<i64: 2, 16>, scalar_prefetch = 0 : i64, scratch_operands = 4 : i64, tpu.core_type = #tpu.core_type<sc_vector_subcore>, window_params = [{transform_indices = #map}, {transform_indices = #map1}, {transform_indices = #map1}, {transform_indices = #map1}]} {
    "tpu.region"() ({
      %run_scoped3A = tpu.sem_alloc : memref<!tpu.dma_semaphore, #tpu.memory_space<semaphore_mem>>
      tpu.enqueue_dma source(%arg4 : memref<128x128xf32, #tpu.memory_space<hbm>>) target(%arg9 : memref<128x128xf32, #tpu.memory_space<vmem>>) target_semaphore(%run_scoped3A : memref<!tpu.dma_semaphore, #tpu.memory_space<semaphore_mem>>)
      tpu.wait_dma2 semaphore(%run_scoped3A : memref<!tpu.dma_semaphore, #tpu.memory_space<semaphore_mem>>) src(%arg4 : memref<128x128xf32, #tpu.memory_space<hbm>>) dst(%arg9 : memref<128x128xf32, #tpu.memory_space<vmem>>)
      tpu.yield
    }) : () -> ()
    %mul3A = arith.constant 640 : i32
    %mul3A_0 = arith.muli %arg1, %mul3A : i32
    %add3A = arith.constant 0 : i32
    %add3A_1 = arith.addi %mul3A_0, %add3A : i32
    "tpu.region"() ({
      %run_scoped3A = tpu.sem_alloc : memref<!tpu.dma_semaphore, #tpu.memory_space<semaphore_mem>>
      %dma_start3A = arith.constant 0 : i32
      %dma_start3A_79 = tpu.memref_slice %arg6[%add3A_1, %dma_start3A] : memref<10240x128xf32, #tpu.memory_space<vmem_shared>> -> memref<128x128xf32, #tpu.memory_space<vmem_shared>>
      %dma_start3A_80 = arith.constant 0 : i32
      %dma_start3A_81 = tpu.memref_slice %arg6[%add3A_1, %dma_start3A_80] : memref<10240x128xf32, #tpu.memory_space<vmem_shared>> -> memref<128x128xf32, #tpu.memory_space<vmem_shared>>
      tpu.enqueue_dma source(%arg9 : memref<128x128xf32, #tpu.memory_space<vmem>>) target(%dma_start3A_81 : memref<128x128xf32, #tpu.memory_space<vmem_shared>>) target_semaphore(%run_scoped3A : memref<!tpu.dma_semaphore, #tpu.memory_space<semaphore_mem>>)
      %dma_wait3A = arith.constant 0 : i32
      %dma_wait3A_82 = tpu.memref_slice %arg6[%add3A_1, %dma_wait3A] : memref<10240x128xf32, #tpu.memory_space<vmem_shared>> -> memref<128x128xf32, #tpu.memory_space<vmem_shared>>
      %dma_wait3A_83 = arith.constant 0 : i32
      %dma_wait3A_84 = tpu.memref_slice %arg6[%add3A_1, %dma_wait3A_83] : memref<10240x128xf32, #tpu.memory_space<vmem_shared>> -> memref<128x128xf32, #tpu.memory_space<vmem_shared>>
      tpu.wait_dma2 semaphore(%run_scoped3A : memref<!tpu.dma_semaphore, #tpu.memory_space<semaphore_mem>>) src(%arg9 : memref<128x128xf32, #tpu.memory_space<vmem>>) dst(%dma_wait3A_84 : memref<128x128xf32, #tpu.memory_space<vmem_shared>>)
      tpu.yield
    }) : () -> ()
    %mul3A_2 = arith.constant 640 : i32
    %mul3A_3 = arith.muli %arg1, %mul3A_2 : i32
    %add3A_4 = arith.constant 128 : i32
    %add3A_5 = arith.addi %mul3A_3, %add3A_4 : i32
    "tpu.region"() ({
      %run_scoped3A = tpu.sem_alloc : memref<!tpu.dma_semaphore, #tpu.memory_space<semaphore_mem>>
      %dma_start3A = arith.constant 0 : i32
      %dma_start3A_79 = tpu.memref_slice %arg6[%add3A_5, %dma_start3A] : memref<10240x128xf32, #tpu.memory_space<vmem_shared>> -> memref<128x128xf32, #tpu.memory_space<vmem_shared>>
      %dma_start3A_80 = arith.constant 0 : i32
      %dma_start3A_81 = tpu.memref_slice %arg6[%add3A_5, %dma_start3A_80] : memref<10240x128xf32, #tpu.memory_space<vmem_shared>> -> memref<128x128xf32, #tpu.memory_space<vmem_shared>>
      tpu.enqueue_dma source(%arg9 : memref<128x128xf32, #tpu.memory_space<vmem>>) target(%dma_start3A_81 : memref<128x128xf32, #tpu.memory_space<vmem_shared>>) target_semaphore(%run_scoped3A : memref<!tpu.dma_semaphore, #tpu.memory_space<semaphore_mem>>)
      %dma_wait3A = arith.constant 0 : i32
      %dma_wait3A_82 = tpu.memref_slice %arg6[%add3A_5, %dma_wait3A] : memref<10240x128xf32, #tpu.memory_space<vmem_shared>> -> memref<128x128xf32, #tpu.memory_space<vmem_shared>>
      %dma_wait3A_83 = arith.constant 0 : i32
      %dma_wait3A_84 = tpu.memref_slice %arg6[%add3A_5, %dma_wait3A_83] : memref<10240x128xf32, #tpu.memory_space<vmem_shared>> -> memref<128x128xf32, #tpu.memory_space<vmem_shared>>
      tpu.wait_dma2 semaphore(%run_scoped3A : memref<!tpu.dma_semaphore, #tpu.memory_space<semaphore_mem>>) src(%arg9 : memref<128x128xf32, #tpu.memory_space<vmem>>) dst(%dma_wait3A_84 : memref<128x128xf32, #tpu.memory_space<vmem_shared>>)
      tpu.yield
    }) : () -> ()
    %mul3A_6 = arith.constant 640 : i32
    %mul3A_7 = arith.muli %arg1, %mul3A_6 : i32
    %add3A_8 = arith.constant 256 : i32
    %add3A_9 = arith.addi %mul3A_7, %add3A_8 : i32
    "tpu.region"() ({
      %run_scoped3A = tpu.sem_alloc : memref<!tpu.dma_semaphore, #tpu.memory_space<semaphore_mem>>
      %dma_start3A = arith.constant 0 : i32
      %dma_start3A_79 = tpu.memref_slice %arg6[%add3A_9, %dma_start3A] : memref<10240x128xf32, #tpu.memory_space<vmem_shared>> -> memref<128x128xf32, #tpu.memory_space<vmem_shared>>
      %dma_start3A_80 = arith.constant 0 : i32
      %dma_start3A_81 = tpu.memref_slice %arg6[%add3A_9, %dma_start3A_80] : memref<10240x128xf32, #tpu.memory_space<vmem_shared>> -> memref<128x128xf32, #tpu.memory_space<vmem_shared>>
      tpu.enqueue_dma source(%arg9 : memref<128x128xf32, #tpu.memory_space<vmem>>) target(%dma_start3A_81 : memref<128x128xf32, #tpu.memory_space<vmem_shared>>) target_semaphore(%run_scoped3A : memref<!tpu.dma_semaphore, #tpu.memory_space<semaphore_mem>>)
      %dma_wait3A = arith.constant 0 : i32
      %dma_wait3A_82 = tpu.memref_slice %arg6[%add3A_9, %dma_wait3A] : memref<10240x128xf32, #tpu.memory_space<vmem_shared>> -> memref<128x128xf32, #tpu.memory_space<vmem_shared>>
      %dma_wait3A_83 = arith.constant 0 : i32
      %dma_wait3A_84 = tpu.memref_slice %arg6[%add3A_9, %dma_wait3A_83] : memref<10240x128xf32, #tpu.memory_space<vmem_shared>> -> memref<128x128xf32, #tpu.memory_space<vmem_shared>>
      tpu.wait_dma2 semaphore(%run_scoped3A : memref<!tpu.dma_semaphore, #tpu.memory_space<semaphore_mem>>) src(%arg9 : memref<128x128xf32, #tpu.memory_space<vmem>>) dst(%dma_wait3A_84 : memref<128x128xf32, #tpu.memory_space<vmem_shared>>)
      tpu.yield
    }) : () -> ()
    %mul3A_10 = arith.constant 640 : i32
    %mul3A_11 = arith.muli %arg1, %mul3A_10 : i32
    %add3A_12 = arith.constant 384 : i32
    %add3A_13 = arith.addi %mul3A_11, %add3A_12 : i32
    "tpu.region"() ({
      %run_scoped3A = tpu.sem_alloc : memref<!tpu.dma_semaphore, #tpu.memory_space<semaphore_mem>>
      %dma_start3A = arith.constant 0 : i32
      %dma_start3A_79 = tpu.memref_slice %arg6[%add3A_13, %dma_start3A] : memref<10240x128xf32, #tpu.memory_space<vmem_shared>> -> memref<128x128xf32, #tpu.memory_space<vmem_shared>>
      %dma_start3A_80 = arith.constant 0 : i32
      %dma_start3A_81 = tpu.memref_slice %arg6[%add3A_13, %dma_start3A_80] : memref<10240x128xf32, #tpu.memory_space<vmem_shared>> -> memref<128x128xf32, #tpu.memory_space<vmem_shared>>
      tpu.enqueue_dma source(%arg9 : memref<128x128xf32, #tpu.memory_space<vmem>>) target(%dma_start3A_81 : memref<128x128xf32, #tpu.memory_space<vmem_shared>>) target_semaphore(%run_scoped3A : memref<!tpu.dma_semaphore, #tpu.memory_space<semaphore_mem>>)
      %dma_wait3A = arith.constant 0 : i32
      %dma_wait3A_82 = tpu.memref_slice %arg6[%add3A_13, %dma_wait3A] : memref<10240x128xf32, #tpu.memory_space<vmem_shared>> -> memref<128x128xf32, #tpu.memory_space<vmem_shared>>
      %dma_wait3A_83 = arith.constant 0 : i32
      %dma_wait3A_84 = tpu.memref_slice %arg6[%add3A_13, %dma_wait3A_83] : memref<10240x128xf32, #tpu.memory_space<vmem_shared>> -> memref<128x128xf32, #tpu.memory_space<vmem_shared>>
      tpu.wait_dma2 semaphore(%run_scoped3A : memref<!tpu.dma_semaphore, #tpu.memory_space<semaphore_mem>>) src(%arg9 : memref<128x128xf32, #tpu.memory_space<vmem>>) dst(%dma_wait3A_84 : memref<128x128xf32, #tpu.memory_space<vmem_shared>>)
      tpu.yield
    }) : () -> ()
    %mul3A_14 = arith.constant 640 : i32
    %mul3A_15 = arith.muli %arg1, %mul3A_14 : i32
    %add3A_16 = arith.constant 512 : i32
    %add3A_17 = arith.addi %mul3A_15, %add3A_16 : i32
    "tpu.region"() ({
      %run_scoped3A = tpu.sem_alloc : memref<!tpu.dma_semaphore, #tpu.memory_space<semaphore_mem>>
      %dma_start3A = arith.constant 0 : i32
      %dma_start3A_79 = tpu.memref_slice %arg6[%add3A_17, %dma_start3A] : memref<10240x128xf32, #tpu.memory_space<vmem_shared>> -> memref<128x128xf32, #tpu.memory_space<vmem_shared>>
      %dma_start3A_80 = arith.constant 0 : i32
      %dma_start3A_81 = tpu.memref_slice %arg6[%add3A_17, %dma_start3A_80] : memref<10240x128xf32, #tpu.memory_space<vmem_shared>> -> memref<128x128xf32, #tpu.memory_space<vmem_shared>>
      tpu.enqueue_dma source(%arg9 : memref<128x128xf32, #tpu.memory_space<vmem>>) target(%dma_start3A_81 : memref<128x128xf32, #tpu.memory_space<vmem_shared>>) target_semaphore(%run_scoped3A : memref<!tpu.dma_semaphore, #tpu.memory_space<semaphore_mem>>)
      %dma_wait3A = arith.constant 0 : i32
      %dma_wait3A_82 = tpu.memref_slice %arg6[%add3A_17, %dma_wait3A] : memref<10240x128xf32, #tpu.memory_space<vmem_shared>> -> memref<128x128xf32, #tpu.memory_space<vmem_shared>>
      %dma_wait3A_83 = arith.constant 0 : i32
      %dma_wait3A_84 = tpu.memref_slice %arg6[%add3A_17, %dma_wait3A_83] : memref<10240x128xf32, #tpu.memory_space<vmem_shared>> -> memref<128x128xf32, #tpu.memory_space<vmem_shared>>
      tpu.wait_dma2 semaphore(%run_scoped3A : memref<!tpu.dma_semaphore, #tpu.memory_space<semaphore_mem>>) src(%arg9 : memref<128x128xf32, #tpu.memory_space<vmem>>) dst(%dma_wait3A_84 : memref<128x128xf32, #tpu.memory_space<vmem_shared>>)
      tpu.yield
    }) : () -> ()
    "tpu.region"() ({
      %run_scoped3A = tpu.sem_alloc : memref<!tpu.dma_semaphore, #tpu.memory_space<semaphore_mem>>
      tpu.enqueue_dma source(%arg3 : memref<128x128xf32, #tpu.memory_space<hbm>>) target(%arg7 : memref<128x128xf32, #tpu.memory_space<vmem>>) target_semaphore(%run_scoped3A : memref<!tpu.dma_semaphore, #tpu.memory_space<semaphore_mem>>)
      tpu.wait_dma2 semaphore(%run_scoped3A : memref<!tpu.dma_semaphore, #tpu.memory_space<semaphore_mem>>) src(%arg3 : memref<128x128xf32, #tpu.memory_space<hbm>>) dst(%arg7 : memref<128x128xf32, #tpu.memory_space<vmem>>)
      tpu.yield
    }) : () -> ()
    %barrier3A = arith.constant 0 : index
    tpu.barrier barrier_id(%barrier3A)
    %scan3A = arith.constant 0 : i32
    %scan3A_18 = arith.constant 0 : i32
    %scan3A_19 = arith.constant 158 : i32
    %scan3A_20 = arith.addi %scan3A_18, %scan3A_19 : i32
    %scan3A_21 = arith.constant 1 : i32
    scf.for %scan3A_79 = %scan3A_18 to %scan3A_20 step %scan3A_21  : i32 {
      %mul3A_80 = arith.constant 323584 : i32
      %mul3A_81 = arith.muli %arg0, %mul3A_80 : i32
      %mul3A_82 = arith.constant 20224 : i32
      %mul3A_83 = arith.muli %arg1, %mul3A_82 : i32
      %add3A_84 = arith.addi %mul3A_81, %mul3A_83 : i32
      %mul3A_85 = arith.constant 128 : i32
      %mul3A_86 = arith.muli %scan3A_79, %mul3A_85 : i32
      %add3A_87 = arith.addi %add3A_84, %mul3A_86 : i32
      "tpu.region"() ({
        %run_scoped3A = tpu.sem_alloc : memref<!tpu.dma_semaphore, #tpu.memory_space<semaphore_mem>>
        %dma_start3A = tpu.memref_slice %arg2[%add3A_87] : memref<647168xi32, #tpu.memory_space<hbm>> -> memref<128xi32, #tpu.memory_space<hbm>>
        %dma_start3A_88 = tpu.memref_slice %arg2[%add3A_87] : memref<647168xi32, #tpu.memory_space<hbm>> -> memref<128xi32, #tpu.memory_space<hbm>>
        tpu.enqueue_dma source(%dma_start3A_88 : memref<128xi32, #tpu.memory_space<hbm>>) target(%arg8 : memref<128xi32, #tpu.memory_space<vmem>>) target_semaphore(%run_scoped3A : memref<!tpu.dma_semaphore, #tpu.memory_space<semaphore_mem>>)
        %dma_wait3A = tpu.memref_slice %arg2[%add3A_87] : memref<647168xi32, #tpu.memory_space<hbm>> -> memref<128xi32, #tpu.memory_space<hbm>>
        %dma_wait3A_89 = tpu.memref_slice %arg2[%add3A_87] : memref<647168xi32, #tpu.memory_space<hbm>> -> memref<128xi32, #tpu.memory_space<hbm>>
        tpu.wait_dma2 semaphore(%run_scoped3A : memref<!tpu.dma_semaphore, #tpu.memory_space<semaphore_mem>>) src(%dma_wait3A_89 : memref<128xi32, #tpu.memory_space<hbm>>) dst(%arg8 : memref<128xi32, #tpu.memory_space<vmem>>)
        tpu.yield
      }) : () -> ()
      "tpu.region"() ({
        %run_scoped3A = tpu.sem_alloc : memref<!tpu.dma_semaphore, #tpu.memory_space<semaphore_mem>>
        %dma_start3A = arith.constant 0 : i32
        %dma_start3A_88 = arith.constant 0 : i32
        %dma_start3A_89 = tpu.memref_slice %arg6[%dma_start3A, %dma_start3A_88] : memref<10240x128xf32, #tpu.memory_space<vmem_shared>> -> memref<10240x128xf32, #tpu.memory_space<vmem_shared>>
        tpu.enqueue_indirect_dma source(%arg7 : memref<128x128xf32, #tpu.memory_space<vmem>>) target(%dma_start3A_89 : memref<10240x128xf32, #tpu.memory_space<vmem_shared>>) offsets(%arg8 : memref<128xi32, #tpu.memory_space<vmem>>) semaphore(%run_scoped3A : memref<!tpu.dma_semaphore, #tpu.memory_space<semaphore_mem>>) {add = true}
        %dma_wait3A = arith.constant 0 : i32
        %dma_wait3A_90 = arith.constant 0 : i32
        %dma_wait3A_91 = tpu.memref_slice %arg6[%dma_wait3A, %dma_wait3A_90] : memref<10240x128xf32, #tpu.memory_space<vmem_shared>> -> memref<10240x128xf32, #tpu.memory_space<vmem_shared>>
        tpu.wait_indirect_dma semaphore(%run_scoped3A : memref<!tpu.dma_semaphore, #tpu.memory_space<semaphore_mem>>) src(%arg7 : memref<128x128xf32, #tpu.memory_space<vmem>>) dst(%dma_wait3A_91 : memref<10240x128xf32, #tpu.memory_space<vmem_shared>>)
        tpu.yield
      }) : () -> ()
    }
    %scan3A_22 = arith.constant 158 : i32
    %barrier3A_23 = arith.constant 0 : index
    tpu.barrier barrier_id(%barrier3A_23)
    %mul3A_24 = arith.constant 640 : i32
    %mul3A_25 = arith.muli %arg1, %mul3A_24 : i32
    %add3A_26 = arith.constant 0 : i32
    %add3A_27 = arith.addi %mul3A_25, %add3A_26 : i32
    "tpu.region"() ({
      %run_scoped3A = tpu.sem_alloc : memref<!tpu.dma_semaphore, #tpu.memory_space<semaphore_mem>>
      %dma_start3A = arith.constant 0 : i32
      %dma_start3A_79 = tpu.memref_slice %arg6[%add3A_27, %dma_start3A] : memref<10240x128xf32, #tpu.memory_space<vmem_shared>> -> memref<128x128xf32, #tpu.memory_space<vmem_shared>>
      %dma_start3A_80 = arith.constant 0 : i32
      %dma_start3A_81 = tpu.memref_slice %arg6[%add3A_27, %dma_start3A_80] : memref<10240x128xf32, #tpu.memory_space<vmem_shared>> -> memref<128x128xf32, #tpu.memory_space<vmem_shared>>
      tpu.enqueue_dma source(%dma_start3A_81 : memref<128x128xf32, #tpu.memory_space<vmem_shared>>) target(%arg9 : memref<128x128xf32, #tpu.memory_space<vmem>>) target_semaphore(%run_scoped3A : memref<!tpu.dma_semaphore, #tpu.memory_space<semaphore_mem>>)
      %dma_wait3A = arith.constant 0 : i32
      %dma_wait3A_82 = tpu.memref_slice %arg6[%add3A_27, %dma_wait3A] : memref<10240x128xf32, #tpu.memory_space<vmem_shared>> -> memref<128x128xf32, #tpu.memory_space<vmem_shared>>
      %dma_wait3A_83 = arith.constant 0 : i32
      %dma_wait3A_84 = tpu.memref_slice %arg6[%add3A_27, %dma_wait3A_83] : memref<10240x128xf32, #tpu.memory_space<vmem_shared>> -> memref<128x128xf32, #tpu.memory_space<vmem_shared>>
      tpu.wait_dma2 semaphore(%run_scoped3A : memref<!tpu.dma_semaphore, #tpu.memory_space<semaphore_mem>>) src(%dma_wait3A_84 : memref<128x128xf32, #tpu.memory_space<vmem_shared>>) dst(%arg9 : memref<128x128xf32, #tpu.memory_space<vmem>>)
      tpu.yield
    }) : () -> ()
    %mul3A_28 = arith.constant 10240 : i32
    %mul3A_29 = arith.muli %arg0, %mul3A_28 : i32
    %mul3A_30 = arith.constant 640 : i32
    %mul3A_31 = arith.muli %arg1, %mul3A_30 : i32
    %add3A_32 = arith.addi %mul3A_29, %mul3A_31 : i32
    %add3A_33 = arith.constant 0 : i32
    %add3A_34 = arith.addi %add3A_32, %add3A_33 : i32
    "tpu.region"() ({
      %run_scoped3A = tpu.sem_alloc : memref<!tpu.dma_semaphore, #tpu.memory_space<semaphore_mem>>
      %dma_start3A = arith.constant 0 : i32
      %dma_start3A_79 = tpu.memref_slice %arg5[%add3A_34, %dma_start3A] : memref<20480x128xf32, #tpu.memory_space<hbm>> -> memref<128x128xf32, #tpu.memory_space<hbm>>
      %dma_start3A_80 = arith.constant 0 : i32
      %dma_start3A_81 = tpu.memref_slice %arg5[%add3A_34, %dma_start3A_80] : memref<20480x128xf32, #tpu.memory_space<hbm>> -> memref<128x128xf32, #tpu.memory_space<hbm>>
      tpu.enqueue_dma source(%arg9 : memref<128x128xf32, #tpu.memory_space<vmem>>) target(%dma_start3A_81 : memref<128x128xf32, #tpu.memory_space<hbm>>) target_semaphore(%run_scoped3A : memref<!tpu.dma_semaphore, #tpu.memory_space<semaphore_mem>>)
      %dma_wait3A = arith.constant 0 : i32
      %dma_wait3A_82 = tpu.memref_slice %arg5[%add3A_34, %dma_wait3A] : memref<20480x128xf32, #tpu.memory_space<hbm>> -> memref<128x128xf32, #tpu.memory_space<hbm>>
      %dma_wait3A_83 = arith.constant 0 : i32
      %dma_wait3A_84 = tpu.memref_slice %arg5[%add3A_34, %dma_wait3A_83] : memref<20480x128xf32, #tpu.memory_space<hbm>> -> memref<128x128xf32, #tpu.memory_space<hbm>>
      tpu.wait_dma2 semaphore(%run_scoped3A : memref<!tpu.dma_semaphore, #tpu.memory_space<semaphore_mem>>) src(%arg9 : memref<128x128xf32, #tpu.memory_space<vmem>>) dst(%dma_wait3A_84 : memref<128x128xf32, #tpu.memory_space<hbm>>)
      tpu.yield
    }) : () -> ()
    %mul3A_35 = arith.constant 640 : i32
    %mul3A_36 = arith.muli %arg1, %mul3A_35 : i32
    %add3A_37 = arith.constant 128 : i32
    %add3A_38 = arith.addi %mul3A_36, %add3A_37 : i32
    "tpu.region"() ({
      %run_scoped3A = tpu.sem_alloc : memref<!tpu.dma_semaphore, #tpu.memory_space<semaphore_mem>>
      %dma_start3A = arith.constant 0 : i32
      %dma_start3A_79 = tpu.memref_slice %arg6[%add3A_38, %dma_start3A] : memref<10240x128xf32, #tpu.memory_space<vmem_shared>> -> memref<128x128xf32, #tpu.memory_space<vmem_shared>>
      %dma_start3A_80 = arith.constant 0 : i32
      %dma_start3A_81 = tpu.memref_slice %arg6[%add3A_38, %dma_start3A_80] : memref<10240x128xf32, #tpu.memory_space<vmem_shared>> -> memref<128x128xf32, #tpu.memory_space<vmem_shared>>
      tpu.enqueue_dma source(%dma_start3A_81 : memref<128x128xf32, #tpu.memory_space<vmem_shared>>) target(%arg9 : memref<128x128xf32, #tpu.memory_space<vmem>>) target_semaphore(%run_scoped3A : memref<!tpu.dma_semaphore, #tpu.memory_space<semaphore_mem>>)
      %dma_wait3A = arith.constant 0 : i32
      %dma_wait3A_82 = tpu.memref_slice %arg6[%add3A_38, %dma_wait3A] : memref<10240x128xf32, #tpu.memory_space<vmem_shared>> -> memref<128x128xf32, #tpu.memory_space<vmem_shared>>
      %dma_wait3A_83 = arith.constant 0 : i32
      %dma_wait3A_84 = tpu.memref_slice %arg6[%add3A_38, %dma_wait3A_83] : memref<10240x128xf32, #tpu.memory_space<vmem_shared>> -> memref<128x128xf32, #tpu.memory_space<vmem_shared>>
      tpu.wait_dma2 semaphore(%run_scoped3A : memref<!tpu.dma_semaphore, #tpu.memory_space<semaphore_mem>>) src(%dma_wait3A_84 : memref<128x128xf32, #tpu.memory_space<vmem_shared>>) dst(%arg9 : memref<128x128xf32, #tpu.memory_space<vmem>>)
      tpu.yield
    }) : () -> ()
    %mul3A_39 = arith.constant 10240 : i32
    %mul3A_40 = arith.muli %arg0, %mul3A_39 : i32
    %mul3A_41 = arith.constant 640 : i32
    %mul3A_42 = arith.muli %arg1, %mul3A_41 : i32
    %add3A_43 = arith.addi %mul3A_40, %mul3A_42 : i32
    %add3A_44 = arith.constant 128 : i32
    %add3A_45 = arith.addi %add3A_43, %add3A_44 : i32
    "tpu.region"() ({
      %run_scoped3A = tpu.sem_alloc : memref<!tpu.dma_semaphore, #tpu.memory_space<semaphore_mem>>
      %dma_start3A = arith.constant 0 : i32
      %dma_start3A_79 = tpu.memref_slice %arg5[%add3A_45, %dma_start3A] : memref<20480x128xf32, #tpu.memory_space<hbm>> -> memref<128x128xf32, #tpu.memory_space<hbm>>
      %dma_start3A_80 = arith.constant 0 : i32
      %dma_start3A_81 = tpu.memref_slice %arg5[%add3A_45, %dma_start3A_80] : memref<20480x128xf32, #tpu.memory_space<hbm>> -> memref<128x128xf32, #tpu.memory_space<hbm>>
      tpu.enqueue_dma source(%arg9 : memref<128x128xf32, #tpu.memory_space<vmem>>) target(%dma_start3A_81 : memref<128x128xf32, #tpu.memory_space<hbm>>) target_semaphore(%run_scoped3A : memref<!tpu.dma_semaphore, #tpu.memory_space<semaphore_mem>>)
      %dma_wait3A = arith.constant 0 : i32
      %dma_wait3A_82 = tpu.memref_slice %arg5[%add3A_45, %dma_wait3A] : memref<20480x128xf32, #tpu.memory_space<hbm>> -> memref<128x128xf32, #tpu.memory_space<hbm>>
      %dma_wait3A_83 = arith.constant 0 : i32
      %dma_wait3A_84 = tpu.memref_slice %arg5[%add3A_45, %dma_wait3A_83] : memref<20480x128xf32, #tpu.memory_space<hbm>> -> memref<128x128xf32, #tpu.memory_space<hbm>>
      tpu.wait_dma2 semaphore(%run_scoped3A : memref<!tpu.dma_semaphore, #tpu.memory_space<semaphore_mem>>) src(%arg9 : memref<128x128xf32, #tpu.memory_space<vmem>>) dst(%dma_wait3A_84 : memref<128x128xf32, #tpu.memory_space<hbm>>)
      tpu.yield
    }) : () -> ()
    %mul3A_46 = arith.constant 640 : i32
    %mul3A_47 = arith.muli %arg1, %mul3A_46 : i32
    %add3A_48 = arith.constant 256 : i32
    %add3A_49 = arith.addi %mul3A_47, %add3A_48 : i32
    "tpu.region"() ({
      %run_scoped3A = tpu.sem_alloc : memref<!tpu.dma_semaphore, #tpu.memory_space<semaphore_mem>>
      %dma_start3A = arith.constant 0 : i32
      %dma_start3A_79 = tpu.memref_slice %arg6[%add3A_49, %dma_start3A] : memref<10240x128xf32, #tpu.memory_space<vmem_shared>> -> memref<128x128xf32, #tpu.memory_space<vmem_shared>>
      %dma_start3A_80 = arith.constant 0 : i32
      %dma_start3A_81 = tpu.memref_slice %arg6[%add3A_49, %dma_start3A_80] : memref<10240x128xf32, #tpu.memory_space<vmem_shared>> -> memref<128x128xf32, #tpu.memory_space<vmem_shared>>
      tpu.enqueue_dma source(%dma_start3A_81 : memref<128x128xf32, #tpu.memory_space<vmem_shared>>) target(%arg9 : memref<128x128xf32, #tpu.memory_space<vmem>>) target_semaphore(%run_scoped3A : memref<!tpu.dma_semaphore, #tpu.memory_space<semaphore_mem>>)
      %dma_wait3A = arith.constant 0 : i32
      %dma_wait3A_82 = tpu.memref_slice %arg6[%add3A_49, %dma_wait3A] : memref<10240x128xf32, #tpu.memory_space<vmem_shared>> -> memref<128x128xf32, #tpu.memory_space<vmem_shared>>
      %dma_wait3A_83 = arith.constant 0 : i32
      %dma_wait3A_84 = tpu.memref_slice %arg6[%add3A_49, %dma_wait3A_83] : memref<10240x128xf32, #tpu.memory_space<vmem_shared>> -> memref<128x128xf32, #tpu.memory_space<vmem_shared>>
      tpu.wait_dma2 semaphore(%run_scoped3A : memref<!tpu.dma_semaphore, #tpu.memory_space<semaphore_mem>>) src(%dma_wait3A_84 : memref<128x128xf32, #tpu.memory_space<vmem_shared>>) dst(%arg9 : memref<128x128xf32, #tpu.memory_space<vmem>>)
      tpu.yield
    }) : () -> ()
    %mul3A_50 = arith.constant 10240 : i32
    %mul3A_51 = arith.muli %arg0, %mul3A_50 : i32
    %mul3A_52 = arith.constant 640 : i32
    %mul3A_53 = arith.muli %arg1, %mul3A_52 : i32
    %add3A_54 = arith.addi %mul3A_51, %mul3A_53 : i32
    %add3A_55 = arith.constant 256 : i32
    %add3A_56 = arith.addi %add3A_54, %add3A_55 : i32
    "tpu.region"() ({
      %run_scoped3A = tpu.sem_alloc : memref<!tpu.dma_semaphore, #tpu.memory_space<semaphore_mem>>
      %dma_start3A = arith.constant 0 : i32
      %dma_start3A_79 = tpu.memref_slice %arg5[%add3A_56, %dma_start3A] : memref<20480x128xf32, #tpu.memory_space<hbm>> -> memref<128x128xf32, #tpu.memory_space<hbm>>
      %dma_start3A_80 = arith.constant 0 : i32
      %dma_start3A_81 = tpu.memref_slice %arg5[%add3A_56, %dma_start3A_80] : memref<20480x128xf32, #tpu.memory_space<hbm>> -> memref<128x128xf32, #tpu.memory_space<hbm>>
      tpu.enqueue_dma source(%arg9 : memref<128x128xf32, #tpu.memory_space<vmem>>) target(%dma_start3A_81 : memref<128x128xf32, #tpu.memory_space<hbm>>) target_semaphore(%run_scoped3A : memref<!tpu.dma_semaphore, #tpu.memory_space<semaphore_mem>>)
      %dma_wait3A = arith.constant 0 : i32
      %dma_wait3A_82 = tpu.memref_slice %arg5[%add3A_56, %dma_wait3A] : memref<20480x128xf32, #tpu.memory_space<hbm>> -> memref<128x128xf32, #tpu.memory_space<hbm>>
      %dma_wait3A_83 = arith.constant 0 : i32
      %dma_wait3A_84 = tpu.memref_slice %arg5[%add3A_56, %dma_wait3A_83] : memref<20480x128xf32, #tpu.memory_space<hbm>> -> memref<128x128xf32, #tpu.memory_space<hbm>>
      tpu.wait_dma2 semaphore(%run_scoped3A : memref<!tpu.dma_semaphore, #tpu.memory_space<semaphore_mem>>) src(%arg9 : memref<128x128xf32, #tpu.memory_space<vmem>>) dst(%dma_wait3A_84 : memref<128x128xf32, #tpu.memory_space<hbm>>)
      tpu.yield
    }) : () -> ()
    %mul3A_57 = arith.constant 640 : i32
    %mul3A_58 = arith.muli %arg1, %mul3A_57 : i32
    %add3A_59 = arith.constant 384 : i32
    %add3A_60 = arith.addi %mul3A_58, %add3A_59 : i32
    "tpu.region"() ({
      %run_scoped3A = tpu.sem_alloc : memref<!tpu.dma_semaphore, #tpu.memory_space<semaphore_mem>>
      %dma_start3A = arith.constant 0 : i32
      %dma_start3A_79 = tpu.memref_slice %arg6[%add3A_60, %dma_start3A] : memref<10240x128xf32, #tpu.memory_space<vmem_shared>> -> memref<128x128xf32, #tpu.memory_space<vmem_shared>>
      %dma_start3A_80 = arith.constant 0 : i32
      %dma_start3A_81 = tpu.memref_slice %arg6[%add3A_60, %dma_start3A_80] : memref<10240x128xf32, #tpu.memory_space<vmem_shared>> -> memref<128x128xf32, #tpu.memory_space<vmem_shared>>
      tpu.enqueue_dma source(%dma_start3A_81 : memref<128x128xf32, #tpu.memory_space<vmem_shared>>) target(%arg9 : memref<128x128xf32, #tpu.memory_space<vmem>>) target_semaphore(%run_scoped3A : memref<!tpu.dma_semaphore, #tpu.memory_space<semaphore_mem>>)
      %dma_wait3A = arith.constant 0 : i32
      %dma_wait3A_82 = tpu.memref_slice %arg6[%add3A_60, %dma_wait3A] : memref<10240x128xf32, #tpu.memory_space<vmem_shared>> -> memref<128x128xf32, #tpu.memory_space<vmem_shared>>
      %dma_wait3A_83 = arith.constant 0 : i32
      %dma_wait3A_84 = tpu.memref_slice %arg6[%add3A_60, %dma_wait3A_83] : memref<10240x128xf32, #tpu.memory_space<vmem_shared>> -> memref<128x128xf32, #tpu.memory_space<vmem_shared>>
      tpu.wait_dma2 semaphore(%run_scoped3A : memref<!tpu.dma_semaphore, #tpu.memory_space<semaphore_mem>>) src(%dma_wait3A_84 : memref<128x128xf32, #tpu.memory_space<vmem_shared>>) dst(%arg9 : memref<128x128xf32, #tpu.memory_space<vmem>>)
      tpu.yield
    }) : () -> ()
    %mul3A_61 = arith.constant 10240 : i32
    %mul3A_62 = arith.muli %arg0, %mul3A_61 : i32
    %mul3A_63 = arith.constant 640 : i32
    %mul3A_64 = arith.muli %arg1, %mul3A_63 : i32
    %add3A_65 = arith.addi %mul3A_62, %mul3A_64 : i32
    %add3A_66 = arith.constant 384 : i32
    %add3A_67 = arith.addi %add3A_65, %add3A_66 : i32
    "tpu.region"() ({
      %run_scoped3A = tpu.sem_alloc : memref<!tpu.dma_semaphore, #tpu.memory_space<semaphore_mem>>
      %dma_start3A = arith.constant 0 : i32
      %dma_start3A_79 = tpu.memref_slice %arg5[%add3A_67, %dma_start3A] : memref<20480x128xf32, #tpu.memory_space<hbm>> -> memref<128x128xf32, #tpu.memory_space<hbm>>
      %dma_start3A_80 = arith.constant 0 : i32
      %dma_start3A_81 = tpu.memref_slice %arg5[%add3A_67, %dma_start3A_80] : memref<20480x128xf32, #tpu.memory_space<hbm>> -> memref<128x128xf32, #tpu.memory_space<hbm>>
      tpu.enqueue_dma source(%arg9 : memref<128x128xf32, #tpu.memory_space<vmem>>) target(%dma_start3A_81 : memref<128x128xf32, #tpu.memory_space<hbm>>) target_semaphore(%run_scoped3A : memref<!tpu.dma_semaphore, #tpu.memory_space<semaphore_mem>>)
      %dma_wait3A = arith.constant 0 : i32
      %dma_wait3A_82 = tpu.memref_slice %arg5[%add3A_67, %dma_wait3A] : memref<20480x128xf32, #tpu.memory_space<hbm>> -> memref<128x128xf32, #tpu.memory_space<hbm>>
      %dma_wait3A_83 = arith.constant 0 : i32
      %dma_wait3A_84 = tpu.memref_slice %arg5[%add3A_67, %dma_wait3A_83] : memref<20480x128xf32, #tpu.memory_space<hbm>> -> memref<128x128xf32, #tpu.memory_space<hbm>>
      tpu.wait_dma2 semaphore(%run_scoped3A : memref<!tpu.dma_semaphore, #tpu.memory_space<semaphore_mem>>) src(%arg9 : memref<128x128xf32, #tpu.memory_space<vmem>>) dst(%dma_wait3A_84 : memref<128x128xf32, #tpu.memory_space<hbm>>)
      tpu.yield
    }) : () -> ()
    %mul3A_68 = arith.constant 640 : i32
    %mul3A_69 = arith.muli %arg1, %mul3A_68 : i32
    %add3A_70 = arith.constant 512 : i32
    %add3A_71 = arith.addi %mul3A_69, %add3A_70 : i32
    "tpu.region"() ({
      %run_scoped3A = tpu.sem_alloc : memref<!tpu.dma_semaphore, #tpu.memory_space<semaphore_mem>>
      %dma_start3A = arith.constant 0 : i32
      %dma_start3A_79 = tpu.memref_slice %arg6[%add3A_71, %dma_start3A] : memref<10240x128xf32, #tpu.memory_space<vmem_shared>> -> memref<128x128xf32, #tpu.memory_space<vmem_shared>>
      %dma_start3A_80 = arith.constant 0 : i32
      %dma_start3A_81 = tpu.memref_slice %arg6[%add3A_71, %dma_start3A_80] : memref<10240x128xf32, #tpu.memory_space<vmem_shared>> -> memref<128x128xf32, #tpu.memory_space<vmem_shared>>
      tpu.enqueue_dma source(%dma_start3A_81 : memref<128x128xf32, #tpu.memory_space<vmem_shared>>) target(%arg9 : memref<128x128xf32, #tpu.memory_space<vmem>>) target_semaphore(%run_scoped3A : memref<!tpu.dma_semaphore, #tpu.memory_space<semaphore_mem>>)
      %dma_wait3A = arith.constant 0 : i32
      %dma_wait3A_82 = tpu.memref_slice %arg6[%add3A_71, %dma_wait3A] : memref<10240x128xf32, #tpu.memory_space<vmem_shared>> -> memref<128x128xf32, #tpu.memory_space<vmem_shared>>
      %dma_wait3A_83 = arith.constant 0 : i32
      %dma_wait3A_84 = tpu.memref_slice %arg6[%add3A_71, %dma_wait3A_83] : memref<10240x128xf32, #tpu.memory_space<vmem_shared>> -> memref<128x128xf32, #tpu.memory_space<vmem_shared>>
      tpu.wait_dma2 semaphore(%run_scoped3A : memref<!tpu.dma_semaphore, #tpu.memory_space<semaphore_mem>>) src(%dma_wait3A_84 : memref<128x128xf32, #tpu.memory_space<vmem_shared>>) dst(%arg9 : memref<128x128xf32, #tpu.memory_space<vmem>>)
      tpu.yield
    }) : () -> ()
    %mul3A_72 = arith.constant 10240 : i32
    %mul3A_73 = arith.muli %arg0, %mul3A_72 : i32
    %mul3A_74 = arith.constant 640 : i32
    %mul3A_75 = arith.muli %arg1, %mul3A_74 : i32
    %add3A_76 = arith.addi %mul3A_73, %mul3A_75 : i32
    %add3A_77 = arith.constant 512 : i32
    %add3A_78 = arith.addi %add3A_76, %add3A_77 : i32
    "tpu.region"() ({
      %run_scoped3A = tpu.sem_alloc : memref<!tpu.dma_semaphore, #tpu.memory_space<semaphore_mem>>
      %dma_start3A = arith.constant 0 : i32
      %dma_start3A_79 = tpu.memref_slice %arg5[%add3A_78, %dma_start3A] : memref<20480x128xf32, #tpu.memory_space<hbm>> -> memref<128x128xf32, #tpu.memory_space<hbm>>
      %dma_start3A_80 = arith.constant 0 : i32
      %dma_start3A_81 = tpu.memref_slice %arg5[%add3A_78, %dma_start3A_80] : memref<20480x128xf32, #tpu.memory_space<hbm>> -> memref<128x128xf32, #tpu.memory_space<hbm>>
      tpu.enqueue_dma source(%arg9 : memref<128x128xf32, #tpu.memory_space<vmem>>) target(%dma_start3A_81 : memref<128x128xf32, #tpu.memory_space<hbm>>) target_semaphore(%run_scoped3A : memref<!tpu.dma_semaphore, #tpu.memory_space<semaphore_mem>>)
      %dma_wait3A = arith.constant 0 : i32
      %dma_wait3A_82 = tpu.memref_slice %arg5[%add3A_78, %dma_wait3A] : memref<20480x128xf32, #tpu.memory_space<hbm>> -> memref<128x128xf32, #tpu.memory_space<hbm>>
      %dma_wait3A_83 = arith.constant 0 : i32
      %dma_wait3A_84 = tpu.memref_slice %arg5[%add3A_78, %dma_wait3A_83] : memref<20480x128xf32, #tpu.memory_space<hbm>> -> memref<128x128xf32, #tpu.memory_space<hbm>>
      tpu.wait_dma2 semaphore(%run_scoped3A : memref<!tpu.dma_semaphore, #tpu.memory_space<semaphore_mem>>) src(%arg9 : memref<128x128xf32, #tpu.memory_space<vmem>>) dst(%dma_wait3A_84 : memref<128x128xf32, #tpu.memory_space<hbm>>)
      tpu.yield
    }) : () -> ()
    return
  }
}

#map = affine_map<(d0, d1) -> (0, 0)>
#map1 = affine_map<(d0, d1) -> (0)>
module attributes {stable_mosaic.version = 14 : i64} {
  func.func @body(%arg0: i32, %arg1: i32, %arg2: memref<10240x128xf32, #tpu.memory_space<hbm>>, %arg3: memref<323584xi32, #tpu.memory_space<hbm>>, %arg4: memref<323584xi32, #tpu.memory_space<hbm>>, %arg5: memref<128x128xf32, #tpu.memory_space<hbm>>, %arg6: memref<20480x128xf32, #tpu.memory_space<hbm>>, %arg7: memref<10240x128xf32, #tpu.memory_space<vmem_shared>>, %arg8: memref<128xi32, #tpu.memory_space<vmem>>, %arg9: memref<128xi32, #tpu.memory_space<vmem>>, %arg10: memref<128x128xf32, #tpu.memory_space<vmem>>, %arg11: memref<!tpu.dma_semaphore, #tpu.memory_space<semaphore_mem>>) attributes {dimension_semantics = [#tpu.dimension_semantics<core_parallel>, #tpu.dimension_semantics<subcore_parallel>], iteration_bounds = array<i64: 2, 16>, scalar_prefetch = 0 : i64, scratch_operands = 5 : i64, tpu.core_type = #tpu.core_type<sc_vector_subcore>, window_params = [{transform_indices = #map}, {transform_indices = #map1}, {transform_indices = #map1}, {transform_indices = #map}, {transform_indices = #map}]} {
    "tpu.region"() ({
      %run_scoped3A = tpu.sem_alloc : memref<!tpu.dma_semaphore, #tpu.memory_space<semaphore_mem>>
      tpu.enqueue_dma source(%arg5 : memref<128x128xf32, #tpu.memory_space<hbm>>) target(%arg10 : memref<128x128xf32, #tpu.memory_space<vmem>>) target_semaphore(%run_scoped3A : memref<!tpu.dma_semaphore, #tpu.memory_space<semaphore_mem>>)
      tpu.wait_dma2 semaphore(%run_scoped3A : memref<!tpu.dma_semaphore, #tpu.memory_space<semaphore_mem>>) src(%arg5 : memref<128x128xf32, #tpu.memory_space<hbm>>) dst(%arg10 : memref<128x128xf32, #tpu.memory_space<vmem>>)
      tpu.yield
    }) : () -> ()
    %mul3A = arith.constant 640 : i32
    %mul3A_0 = arith.muli %arg1, %mul3A : i32
    %add3A = arith.constant 0 : i32
    %add3A_1 = arith.addi %mul3A_0, %add3A : i32
    "tpu.region"() ({
      %run_scoped3A = tpu.sem_alloc : memref<!tpu.dma_semaphore, #tpu.memory_space<semaphore_mem>>
      %dma_start3A = arith.constant 0 : i32
      %dma_start3A_79 = tpu.memref_slice %arg7[%add3A_1, %dma_start3A] : memref<10240x128xf32, #tpu.memory_space<vmem_shared>> -> memref<128x128xf32, #tpu.memory_space<vmem_shared>>
      %dma_start3A_80 = arith.constant 0 : i32
      %dma_start3A_81 = tpu.memref_slice %arg7[%add3A_1, %dma_start3A_80] : memref<10240x128xf32, #tpu.memory_space<vmem_shared>> -> memref<128x128xf32, #tpu.memory_space<vmem_shared>>
      tpu.enqueue_dma source(%arg10 : memref<128x128xf32, #tpu.memory_space<vmem>>) target(%dma_start3A_81 : memref<128x128xf32, #tpu.memory_space<vmem_shared>>) target_semaphore(%run_scoped3A : memref<!tpu.dma_semaphore, #tpu.memory_space<semaphore_mem>>)
      %dma_wait3A = arith.constant 0 : i32
      %dma_wait3A_82 = tpu.memref_slice %arg7[%add3A_1, %dma_wait3A] : memref<10240x128xf32, #tpu.memory_space<vmem_shared>> -> memref<128x128xf32, #tpu.memory_space<vmem_shared>>
      %dma_wait3A_83 = arith.constant 0 : i32
      %dma_wait3A_84 = tpu.memref_slice %arg7[%add3A_1, %dma_wait3A_83] : memref<10240x128xf32, #tpu.memory_space<vmem_shared>> -> memref<128x128xf32, #tpu.memory_space<vmem_shared>>
      tpu.wait_dma2 semaphore(%run_scoped3A : memref<!tpu.dma_semaphore, #tpu.memory_space<semaphore_mem>>) src(%arg10 : memref<128x128xf32, #tpu.memory_space<vmem>>) dst(%dma_wait3A_84 : memref<128x128xf32, #tpu.memory_space<vmem_shared>>)
      tpu.yield
    }) : () -> ()
    %mul3A_2 = arith.constant 640 : i32
    %mul3A_3 = arith.muli %arg1, %mul3A_2 : i32
    %add3A_4 = arith.constant 128 : i32
    %add3A_5 = arith.addi %mul3A_3, %add3A_4 : i32
    "tpu.region"() ({
      %run_scoped3A = tpu.sem_alloc : memref<!tpu.dma_semaphore, #tpu.memory_space<semaphore_mem>>
      %dma_start3A = arith.constant 0 : i32
      %dma_start3A_79 = tpu.memref_slice %arg7[%add3A_5, %dma_start3A] : memref<10240x128xf32, #tpu.memory_space<vmem_shared>> -> memref<128x128xf32, #tpu.memory_space<vmem_shared>>
      %dma_start3A_80 = arith.constant 0 : i32
      %dma_start3A_81 = tpu.memref_slice %arg7[%add3A_5, %dma_start3A_80] : memref<10240x128xf32, #tpu.memory_space<vmem_shared>> -> memref<128x128xf32, #tpu.memory_space<vmem_shared>>
      tpu.enqueue_dma source(%arg10 : memref<128x128xf32, #tpu.memory_space<vmem>>) target(%dma_start3A_81 : memref<128x128xf32, #tpu.memory_space<vmem_shared>>) target_semaphore(%run_scoped3A : memref<!tpu.dma_semaphore, #tpu.memory_space<semaphore_mem>>)
      %dma_wait3A = arith.constant 0 : i32
      %dma_wait3A_82 = tpu.memref_slice %arg7[%add3A_5, %dma_wait3A] : memref<10240x128xf32, #tpu.memory_space<vmem_shared>> -> memref<128x128xf32, #tpu.memory_space<vmem_shared>>
      %dma_wait3A_83 = arith.constant 0 : i32
      %dma_wait3A_84 = tpu.memref_slice %arg7[%add3A_5, %dma_wait3A_83] : memref<10240x128xf32, #tpu.memory_space<vmem_shared>> -> memref<128x128xf32, #tpu.memory_space<vmem_shared>>
      tpu.wait_dma2 semaphore(%run_scoped3A : memref<!tpu.dma_semaphore, #tpu.memory_space<semaphore_mem>>) src(%arg10 : memref<128x128xf32, #tpu.memory_space<vmem>>) dst(%dma_wait3A_84 : memref<128x128xf32, #tpu.memory_space<vmem_shared>>)
      tpu.yield
    }) : () -> ()
    %mul3A_6 = arith.constant 640 : i32
    %mul3A_7 = arith.muli %arg1, %mul3A_6 : i32
    %add3A_8 = arith.constant 256 : i32
    %add3A_9 = arith.addi %mul3A_7, %add3A_8 : i32
    "tpu.region"() ({
      %run_scoped3A = tpu.sem_alloc : memref<!tpu.dma_semaphore, #tpu.memory_space<semaphore_mem>>
      %dma_start3A = arith.constant 0 : i32
      %dma_start3A_79 = tpu.memref_slice %arg7[%add3A_9, %dma_start3A] : memref<10240x128xf32, #tpu.memory_space<vmem_shared>> -> memref<128x128xf32, #tpu.memory_space<vmem_shared>>
      %dma_start3A_80 = arith.constant 0 : i32
      %dma_start3A_81 = tpu.memref_slice %arg7[%add3A_9, %dma_start3A_80] : memref<10240x128xf32, #tpu.memory_space<vmem_shared>> -> memref<128x128xf32, #tpu.memory_space<vmem_shared>>
      tpu.enqueue_dma source(%arg10 : memref<128x128xf32, #tpu.memory_space<vmem>>) target(%dma_start3A_81 : memref<128x128xf32, #tpu.memory_space<vmem_shared>>) target_semaphore(%run_scoped3A : memref<!tpu.dma_semaphore, #tpu.memory_space<semaphore_mem>>)
      %dma_wait3A = arith.constant 0 : i32
      %dma_wait3A_82 = tpu.memref_slice %arg7[%add3A_9, %dma_wait3A] : memref<10240x128xf32, #tpu.memory_space<vmem_shared>> -> memref<128x128xf32, #tpu.memory_space<vmem_shared>>
      %dma_wait3A_83 = arith.constant 0 : i32
      %dma_wait3A_84 = tpu.memref_slice %arg7[%add3A_9, %dma_wait3A_83] : memref<10240x128xf32, #tpu.memory_space<vmem_shared>> -> memref<128x128xf32, #tpu.memory_space<vmem_shared>>
      tpu.wait_dma2 semaphore(%run_scoped3A : memref<!tpu.dma_semaphore, #tpu.memory_space<semaphore_mem>>) src(%arg10 : memref<128x128xf32, #tpu.memory_space<vmem>>) dst(%dma_wait3A_84 : memref<128x128xf32, #tpu.memory_space<vmem_shared>>)
      tpu.yield
    }) : () -> ()
    %mul3A_10 = arith.constant 640 : i32
    %mul3A_11 = arith.muli %arg1, %mul3A_10 : i32
    %add3A_12 = arith.constant 384 : i32
    %add3A_13 = arith.addi %mul3A_11, %add3A_12 : i32
    "tpu.region"() ({
      %run_scoped3A = tpu.sem_alloc : memref<!tpu.dma_semaphore, #tpu.memory_space<semaphore_mem>>
      %dma_start3A = arith.constant 0 : i32
      %dma_start3A_79 = tpu.memref_slice %arg7[%add3A_13, %dma_start3A] : memref<10240x128xf32, #tpu.memory_space<vmem_shared>> -> memref<128x128xf32, #tpu.memory_space<vmem_shared>>
      %dma_start3A_80 = arith.constant 0 : i32
      %dma_start3A_81 = tpu.memref_slice %arg7[%add3A_13, %dma_start3A_80] : memref<10240x128xf32, #tpu.memory_space<vmem_shared>> -> memref<128x128xf32, #tpu.memory_space<vmem_shared>>
      tpu.enqueue_dma source(%arg10 : memref<128x128xf32, #tpu.memory_space<vmem>>) target(%dma_start3A_81 : memref<128x128xf32, #tpu.memory_space<vmem_shared>>) target_semaphore(%run_scoped3A : memref<!tpu.dma_semaphore, #tpu.memory_space<semaphore_mem>>)
      %dma_wait3A = arith.constant 0 : i32
      %dma_wait3A_82 = tpu.memref_slice %arg7[%add3A_13, %dma_wait3A] : memref<10240x128xf32, #tpu.memory_space<vmem_shared>> -> memref<128x128xf32, #tpu.memory_space<vmem_shared>>
      %dma_wait3A_83 = arith.constant 0 : i32
      %dma_wait3A_84 = tpu.memref_slice %arg7[%add3A_13, %dma_wait3A_83] : memref<10240x128xf32, #tpu.memory_space<vmem_shared>> -> memref<128x128xf32, #tpu.memory_space<vmem_shared>>
      tpu.wait_dma2 semaphore(%run_scoped3A : memref<!tpu.dma_semaphore, #tpu.memory_space<semaphore_mem>>) src(%arg10 : memref<128x128xf32, #tpu.memory_space<vmem>>) dst(%dma_wait3A_84 : memref<128x128xf32, #tpu.memory_space<vmem_shared>>)
      tpu.yield
    }) : () -> ()
    %mul3A_14 = arith.constant 640 : i32
    %mul3A_15 = arith.muli %arg1, %mul3A_14 : i32
    %add3A_16 = arith.constant 512 : i32
    %add3A_17 = arith.addi %mul3A_15, %add3A_16 : i32
    "tpu.region"() ({
      %run_scoped3A = tpu.sem_alloc : memref<!tpu.dma_semaphore, #tpu.memory_space<semaphore_mem>>
      %dma_start3A = arith.constant 0 : i32
      %dma_start3A_79 = tpu.memref_slice %arg7[%add3A_17, %dma_start3A] : memref<10240x128xf32, #tpu.memory_space<vmem_shared>> -> memref<128x128xf32, #tpu.memory_space<vmem_shared>>
      %dma_start3A_80 = arith.constant 0 : i32
      %dma_start3A_81 = tpu.memref_slice %arg7[%add3A_17, %dma_start3A_80] : memref<10240x128xf32, #tpu.memory_space<vmem_shared>> -> memref<128x128xf32, #tpu.memory_space<vmem_shared>>
      tpu.enqueue_dma source(%arg10 : memref<128x128xf32, #tpu.memory_space<vmem>>) target(%dma_start3A_81 : memref<128x128xf32, #tpu.memory_space<vmem_shared>>) target_semaphore(%run_scoped3A : memref<!tpu.dma_semaphore, #tpu.memory_space<semaphore_mem>>)
      %dma_wait3A = arith.constant 0 : i32
      %dma_wait3A_82 = tpu.memref_slice %arg7[%add3A_17, %dma_wait3A] : memref<10240x128xf32, #tpu.memory_space<vmem_shared>> -> memref<128x128xf32, #tpu.memory_space<vmem_shared>>
      %dma_wait3A_83 = arith.constant 0 : i32
      %dma_wait3A_84 = tpu.memref_slice %arg7[%add3A_17, %dma_wait3A_83] : memref<10240x128xf32, #tpu.memory_space<vmem_shared>> -> memref<128x128xf32, #tpu.memory_space<vmem_shared>>
      tpu.wait_dma2 semaphore(%run_scoped3A : memref<!tpu.dma_semaphore, #tpu.memory_space<semaphore_mem>>) src(%arg10 : memref<128x128xf32, #tpu.memory_space<vmem>>) dst(%dma_wait3A_84 : memref<128x128xf32, #tpu.memory_space<vmem_shared>>)
      tpu.yield
    }) : () -> ()
    %barrier3A = arith.constant 0 : index
    tpu.barrier barrier_id(%barrier3A)
    %scan3A = arith.constant 0 : i32
    %scan3A_18 = arith.constant 0 : i32
    %scan3A_19 = arith.constant 79 : i32
    %scan3A_20 = arith.addi %scan3A_18, %scan3A_19 : i32
    %scan3A_21 = arith.constant 1 : i32
    scf.for %scan3A_79 = %scan3A_18 to %scan3A_20 step %scan3A_21  : i32 {
      %mul3A_80 = arith.constant 161792 : i32
      %mul3A_81 = arith.muli %arg0, %mul3A_80 : i32
      %mul3A_82 = arith.constant 10112 : i32
      %mul3A_83 = arith.muli %arg1, %mul3A_82 : i32
      %add3A_84 = arith.addi %mul3A_81, %mul3A_83 : i32
      %mul3A_85 = arith.constant 128 : i32
      %mul3A_86 = arith.muli %scan3A_79, %mul3A_85 : i32
      %add3A_87 = arith.addi %add3A_84, %mul3A_86 : i32
      "tpu.region"() ({
        %run_scoped3A = tpu.sem_alloc : memref<!tpu.dma_semaphore, #tpu.memory_space<semaphore_mem>>
        %dma_start3A_92 = tpu.memref_slice %arg3[%add3A_87] : memref<323584xi32, #tpu.memory_space<hbm>> -> memref<128xi32, #tpu.memory_space<hbm>>
        %dma_start3A_93 = tpu.memref_slice %arg3[%add3A_87] : memref<323584xi32, #tpu.memory_space<hbm>> -> memref<128xi32, #tpu.memory_space<hbm>>
        tpu.enqueue_dma source(%dma_start3A_93 : memref<128xi32, #tpu.memory_space<hbm>>) target(%arg8 : memref<128xi32, #tpu.memory_space<vmem>>) target_semaphore(%run_scoped3A : memref<!tpu.dma_semaphore, #tpu.memory_space<semaphore_mem>>)
        %dma_wait3A_94 = tpu.memref_slice %arg3[%add3A_87] : memref<323584xi32, #tpu.memory_space<hbm>> -> memref<128xi32, #tpu.memory_space<hbm>>
        %dma_wait3A_95 = tpu.memref_slice %arg3[%add3A_87] : memref<323584xi32, #tpu.memory_space<hbm>> -> memref<128xi32, #tpu.memory_space<hbm>>
        tpu.wait_dma2 semaphore(%run_scoped3A : memref<!tpu.dma_semaphore, #tpu.memory_space<semaphore_mem>>) src(%dma_wait3A_95 : memref<128xi32, #tpu.memory_space<hbm>>) dst(%arg8 : memref<128xi32, #tpu.memory_space<vmem>>)
        tpu.yield
      }) : () -> ()
      "tpu.region"() ({
        %run_scoped3A = tpu.sem_alloc : memref<!tpu.dma_semaphore, #tpu.memory_space<semaphore_mem>>
        %dma_start3A_92 = tpu.memref_slice %arg4[%add3A_87] : memref<323584xi32, #tpu.memory_space<hbm>> -> memref<128xi32, #tpu.memory_space<hbm>>
        %dma_start3A_93 = tpu.memref_slice %arg4[%add3A_87] : memref<323584xi32, #tpu.memory_space<hbm>> -> memref<128xi32, #tpu.memory_space<hbm>>
        tpu.enqueue_dma source(%dma_start3A_93 : memref<128xi32, #tpu.memory_space<hbm>>) target(%arg9 : memref<128xi32, #tpu.memory_space<vmem>>) target_semaphore(%run_scoped3A : memref<!tpu.dma_semaphore, #tpu.memory_space<semaphore_mem>>)
        %dma_wait3A_94 = tpu.memref_slice %arg4[%add3A_87] : memref<323584xi32, #tpu.memory_space<hbm>> -> memref<128xi32, #tpu.memory_space<hbm>>
        %dma_wait3A_95 = tpu.memref_slice %arg4[%add3A_87] : memref<323584xi32, #tpu.memory_space<hbm>> -> memref<128xi32, #tpu.memory_space<hbm>>
        tpu.wait_dma2 semaphore(%run_scoped3A : memref<!tpu.dma_semaphore, #tpu.memory_space<semaphore_mem>>) src(%dma_wait3A_95 : memref<128xi32, #tpu.memory_space<hbm>>) dst(%arg9 : memref<128xi32, #tpu.memory_space<vmem>>)
        tpu.yield
      }) : () -> ()
      %dma_start3A = arith.constant 0 : i32
      %dma_start3A_88 = arith.constant 0 : i32
      %dma_start3A_89 = tpu.memref_slice %arg2[%dma_start3A, %dma_start3A_88] : memref<10240x128xf32, #tpu.memory_space<hbm>> -> memref<10240x128xf32, #tpu.memory_space<hbm>>
      tpu.enqueue_indirect_dma source(%dma_start3A_89 : memref<10240x128xf32, #tpu.memory_space<hbm>>) target(%arg10 : memref<128x128xf32, #tpu.memory_space<vmem>>) offsets(%arg8 : memref<128xi32, #tpu.memory_space<vmem>>) semaphore(%arg11 : memref<!tpu.dma_semaphore, #tpu.memory_space<semaphore_mem>>)
      %dma_wait3A = arith.constant 0 : i32
      %dma_wait3A_90 = arith.constant 0 : i32
      %dma_wait3A_91 = tpu.memref_slice %arg2[%dma_wait3A, %dma_wait3A_90] : memref<10240x128xf32, #tpu.memory_space<hbm>> -> memref<10240x128xf32, #tpu.memory_space<hbm>>
      tpu.wait_indirect_dma semaphore(%arg11 : memref<!tpu.dma_semaphore, #tpu.memory_space<semaphore_mem>>) src(%dma_wait3A_91 : memref<10240x128xf32, #tpu.memory_space<hbm>>) dst(%arg10 : memref<128x128xf32, #tpu.memory_space<vmem>>)
      "tpu.region"() ({
        %run_scoped3A = tpu.sem_alloc : memref<!tpu.dma_semaphore, #tpu.memory_space<semaphore_mem>>
        %dma_start3A_92 = arith.constant 0 : i32
        %dma_start3A_93 = arith.constant 0 : i32
        %dma_start3A_94 = tpu.memref_slice %arg7[%dma_start3A_92, %dma_start3A_93] : memref<10240x128xf32, #tpu.memory_space<vmem_shared>> -> memref<10240x128xf32, #tpu.memory_space<vmem_shared>>
        tpu.enqueue_indirect_dma source(%arg10 : memref<128x128xf32, #tpu.memory_space<vmem>>) target(%dma_start3A_94 : memref<10240x128xf32, #tpu.memory_space<vmem_shared>>) offsets(%arg9 : memref<128xi32, #tpu.memory_space<vmem>>) semaphore(%run_scoped3A : memref<!tpu.dma_semaphore, #tpu.memory_space<semaphore_mem>>) {add = true}
        %dma_wait3A_95 = arith.constant 0 : i32
        %dma_wait3A_96 = arith.constant 0 : i32
        %dma_wait3A_97 = tpu.memref_slice %arg7[%dma_wait3A_95, %dma_wait3A_96] : memref<10240x128xf32, #tpu.memory_space<vmem_shared>> -> memref<10240x128xf32, #tpu.memory_space<vmem_shared>>
        tpu.wait_indirect_dma semaphore(%run_scoped3A : memref<!tpu.dma_semaphore, #tpu.memory_space<semaphore_mem>>) src(%arg10 : memref<128x128xf32, #tpu.memory_space<vmem>>) dst(%dma_wait3A_97 : memref<10240x128xf32, #tpu.memory_space<vmem_shared>>)
        tpu.yield
      }) : () -> ()
    }
    %scan3A_22 = arith.constant 79 : i32
    %barrier3A_23 = arith.constant 0 : index
    tpu.barrier barrier_id(%barrier3A_23)
    %mul3A_24 = arith.constant 640 : i32
    %mul3A_25 = arith.muli %arg1, %mul3A_24 : i32
    %add3A_26 = arith.constant 0 : i32
    %add3A_27 = arith.addi %mul3A_25, %add3A_26 : i32
    "tpu.region"() ({
      %run_scoped3A = tpu.sem_alloc : memref<!tpu.dma_semaphore, #tpu.memory_space<semaphore_mem>>
      %dma_start3A = arith.constant 0 : i32
      %dma_start3A_79 = tpu.memref_slice %arg7[%add3A_27, %dma_start3A] : memref<10240x128xf32, #tpu.memory_space<vmem_shared>> -> memref<128x128xf32, #tpu.memory_space<vmem_shared>>
      %dma_start3A_80 = arith.constant 0 : i32
      %dma_start3A_81 = tpu.memref_slice %arg7[%add3A_27, %dma_start3A_80] : memref<10240x128xf32, #tpu.memory_space<vmem_shared>> -> memref<128x128xf32, #tpu.memory_space<vmem_shared>>
      tpu.enqueue_dma source(%dma_start3A_81 : memref<128x128xf32, #tpu.memory_space<vmem_shared>>) target(%arg10 : memref<128x128xf32, #tpu.memory_space<vmem>>) target_semaphore(%run_scoped3A : memref<!tpu.dma_semaphore, #tpu.memory_space<semaphore_mem>>)
      %dma_wait3A = arith.constant 0 : i32
      %dma_wait3A_82 = tpu.memref_slice %arg7[%add3A_27, %dma_wait3A] : memref<10240x128xf32, #tpu.memory_space<vmem_shared>> -> memref<128x128xf32, #tpu.memory_space<vmem_shared>>
      %dma_wait3A_83 = arith.constant 0 : i32
      %dma_wait3A_84 = tpu.memref_slice %arg7[%add3A_27, %dma_wait3A_83] : memref<10240x128xf32, #tpu.memory_space<vmem_shared>> -> memref<128x128xf32, #tpu.memory_space<vmem_shared>>
      tpu.wait_dma2 semaphore(%run_scoped3A : memref<!tpu.dma_semaphore, #tpu.memory_space<semaphore_mem>>) src(%dma_wait3A_84 : memref<128x128xf32, #tpu.memory_space<vmem_shared>>) dst(%arg10 : memref<128x128xf32, #tpu.memory_space<vmem>>)
      tpu.yield
    }) : () -> ()
    %mul3A_28 = arith.constant 10240 : i32
    %mul3A_29 = arith.muli %arg0, %mul3A_28 : i32
    %mul3A_30 = arith.constant 640 : i32
    %mul3A_31 = arith.muli %arg1, %mul3A_30 : i32
    %add3A_32 = arith.addi %mul3A_29, %mul3A_31 : i32
    %add3A_33 = arith.constant 0 : i32
    %add3A_34 = arith.addi %add3A_32, %add3A_33 : i32
    "tpu.region"() ({
      %run_scoped3A = tpu.sem_alloc : memref<!tpu.dma_semaphore, #tpu.memory_space<semaphore_mem>>
      %dma_start3A = arith.constant 0 : i32
      %dma_start3A_79 = tpu.memref_slice %arg6[%add3A_34, %dma_start3A] : memref<20480x128xf32, #tpu.memory_space<hbm>> -> memref<128x128xf32, #tpu.memory_space<hbm>>
      %dma_start3A_80 = arith.constant 0 : i32
      %dma_start3A_81 = tpu.memref_slice %arg6[%add3A_34, %dma_start3A_80] : memref<20480x128xf32, #tpu.memory_space<hbm>> -> memref<128x128xf32, #tpu.memory_space<hbm>>
      tpu.enqueue_dma source(%arg10 : memref<128x128xf32, #tpu.memory_space<vmem>>) target(%dma_start3A_81 : memref<128x128xf32, #tpu.memory_space<hbm>>) target_semaphore(%run_scoped3A : memref<!tpu.dma_semaphore, #tpu.memory_space<semaphore_mem>>)
      %dma_wait3A = arith.constant 0 : i32
      %dma_wait3A_82 = tpu.memref_slice %arg6[%add3A_34, %dma_wait3A] : memref<20480x128xf32, #tpu.memory_space<hbm>> -> memref<128x128xf32, #tpu.memory_space<hbm>>
      %dma_wait3A_83 = arith.constant 0 : i32
      %dma_wait3A_84 = tpu.memref_slice %arg6[%add3A_34, %dma_wait3A_83] : memref<20480x128xf32, #tpu.memory_space<hbm>> -> memref<128x128xf32, #tpu.memory_space<hbm>>
      tpu.wait_dma2 semaphore(%run_scoped3A : memref<!tpu.dma_semaphore, #tpu.memory_space<semaphore_mem>>) src(%arg10 : memref<128x128xf32, #tpu.memory_space<vmem>>) dst(%dma_wait3A_84 : memref<128x128xf32, #tpu.memory_space<hbm>>)
      tpu.yield
    }) : () -> ()
    %mul3A_35 = arith.constant 640 : i32
    %mul3A_36 = arith.muli %arg1, %mul3A_35 : i32
    %add3A_37 = arith.constant 128 : i32
    %add3A_38 = arith.addi %mul3A_36, %add3A_37 : i32
    "tpu.region"() ({
      %run_scoped3A = tpu.sem_alloc : memref<!tpu.dma_semaphore, #tpu.memory_space<semaphore_mem>>
      %dma_start3A = arith.constant 0 : i32
      %dma_start3A_79 = tpu.memref_slice %arg7[%add3A_38, %dma_start3A] : memref<10240x128xf32, #tpu.memory_space<vmem_shared>> -> memref<128x128xf32, #tpu.memory_space<vmem_shared>>
      %dma_start3A_80 = arith.constant 0 : i32
      %dma_start3A_81 = tpu.memref_slice %arg7[%add3A_38, %dma_start3A_80] : memref<10240x128xf32, #tpu.memory_space<vmem_shared>> -> memref<128x128xf32, #tpu.memory_space<vmem_shared>>
      tpu.enqueue_dma source(%dma_start3A_81 : memref<128x128xf32, #tpu.memory_space<vmem_shared>>) target(%arg10 : memref<128x128xf32, #tpu.memory_space<vmem>>) target_semaphore(%run_scoped3A : memref<!tpu.dma_semaphore, #tpu.memory_space<semaphore_mem>>)
      %dma_wait3A = arith.constant 0 : i32
      %dma_wait3A_82 = tpu.memref_slice %arg7[%add3A_38, %dma_wait3A] : memref<10240x128xf32, #tpu.memory_space<vmem_shared>> -> memref<128x128xf32, #tpu.memory_space<vmem_shared>>
      %dma_wait3A_83 = arith.constant 0 : i32
      %dma_wait3A_84 = tpu.memref_slice %arg7[%add3A_38, %dma_wait3A_83] : memref<10240x128xf32, #tpu.memory_space<vmem_shared>> -> memref<128x128xf32, #tpu.memory_space<vmem_shared>>
      tpu.wait_dma2 semaphore(%run_scoped3A : memref<!tpu.dma_semaphore, #tpu.memory_space<semaphore_mem>>) src(%dma_wait3A_84 : memref<128x128xf32, #tpu.memory_space<vmem_shared>>) dst(%arg10 : memref<128x128xf32, #tpu.memory_space<vmem>>)
      tpu.yield
    }) : () -> ()
    %mul3A_39 = arith.constant 10240 : i32
    %mul3A_40 = arith.muli %arg0, %mul3A_39 : i32
    %mul3A_41 = arith.constant 640 : i32
    %mul3A_42 = arith.muli %arg1, %mul3A_41 : i32
    %add3A_43 = arith.addi %mul3A_40, %mul3A_42 : i32
    %add3A_44 = arith.constant 128 : i32
    %add3A_45 = arith.addi %add3A_43, %add3A_44 : i32
    "tpu.region"() ({
      %run_scoped3A = tpu.sem_alloc : memref<!tpu.dma_semaphore, #tpu.memory_space<semaphore_mem>>
      %dma_start3A = arith.constant 0 : i32
      %dma_start3A_79 = tpu.memref_slice %arg6[%add3A_45, %dma_start3A] : memref<20480x128xf32, #tpu.memory_space<hbm>> -> memref<128x128xf32, #tpu.memory_space<hbm>>
      %dma_start3A_80 = arith.constant 0 : i32
      %dma_start3A_81 = tpu.memref_slice %arg6[%add3A_45, %dma_start3A_80] : memref<20480x128xf32, #tpu.memory_space<hbm>> -> memref<128x128xf32, #tpu.memory_space<hbm>>
      tpu.enqueue_dma source(%arg10 : memref<128x128xf32, #tpu.memory_space<vmem>>) target(%dma_start3A_81 : memref<128x128xf32, #tpu.memory_space<hbm>>) target_semaphore(%run_scoped3A : memref<!tpu.dma_semaphore, #tpu.memory_space<semaphore_mem>>)
      %dma_wait3A = arith.constant 0 : i32
      %dma_wait3A_82 = tpu.memref_slice %arg6[%add3A_45, %dma_wait3A] : memref<20480x128xf32, #tpu.memory_space<hbm>> -> memref<128x128xf32, #tpu.memory_space<hbm>>
      %dma_wait3A_83 = arith.constant 0 : i32
      %dma_wait3A_84 = tpu.memref_slice %arg6[%add3A_45, %dma_wait3A_83] : memref<20480x128xf32, #tpu.memory_space<hbm>> -> memref<128x128xf32, #tpu.memory_space<hbm>>
      tpu.wait_dma2 semaphore(%run_scoped3A : memref<!tpu.dma_semaphore, #tpu.memory_space<semaphore_mem>>) src(%arg10 : memref<128x128xf32, #tpu.memory_space<vmem>>) dst(%dma_wait3A_84 : memref<128x128xf32, #tpu.memory_space<hbm>>)
      tpu.yield
    }) : () -> ()
    %mul3A_46 = arith.constant 640 : i32
    %mul3A_47 = arith.muli %arg1, %mul3A_46 : i32
    %add3A_48 = arith.constant 256 : i32
    %add3A_49 = arith.addi %mul3A_47, %add3A_48 : i32
    "tpu.region"() ({
      %run_scoped3A = tpu.sem_alloc : memref<!tpu.dma_semaphore, #tpu.memory_space<semaphore_mem>>
      %dma_start3A = arith.constant 0 : i32
      %dma_start3A_79 = tpu.memref_slice %arg7[%add3A_49, %dma_start3A] : memref<10240x128xf32, #tpu.memory_space<vmem_shared>> -> memref<128x128xf32, #tpu.memory_space<vmem_shared>>
      %dma_start3A_80 = arith.constant 0 : i32
      %dma_start3A_81 = tpu.memref_slice %arg7[%add3A_49, %dma_start3A_80] : memref<10240x128xf32, #tpu.memory_space<vmem_shared>> -> memref<128x128xf32, #tpu.memory_space<vmem_shared>>
      tpu.enqueue_dma source(%dma_start3A_81 : memref<128x128xf32, #tpu.memory_space<vmem_shared>>) target(%arg10 : memref<128x128xf32, #tpu.memory_space<vmem>>) target_semaphore(%run_scoped3A : memref<!tpu.dma_semaphore, #tpu.memory_space<semaphore_mem>>)
      %dma_wait3A = arith.constant 0 : i32
      %dma_wait3A_82 = tpu.memref_slice %arg7[%add3A_49, %dma_wait3A] : memref<10240x128xf32, #tpu.memory_space<vmem_shared>> -> memref<128x128xf32, #tpu.memory_space<vmem_shared>>
      %dma_wait3A_83 = arith.constant 0 : i32
      %dma_wait3A_84 = tpu.memref_slice %arg7[%add3A_49, %dma_wait3A_83] : memref<10240x128xf32, #tpu.memory_space<vmem_shared>> -> memref<128x128xf32, #tpu.memory_space<vmem_shared>>
      tpu.wait_dma2 semaphore(%run_scoped3A : memref<!tpu.dma_semaphore, #tpu.memory_space<semaphore_mem>>) src(%dma_wait3A_84 : memref<128x128xf32, #tpu.memory_space<vmem_shared>>) dst(%arg10 : memref<128x128xf32, #tpu.memory_space<vmem>>)
      tpu.yield
    }) : () -> ()
    %mul3A_50 = arith.constant 10240 : i32
    %mul3A_51 = arith.muli %arg0, %mul3A_50 : i32
    %mul3A_52 = arith.constant 640 : i32
    %mul3A_53 = arith.muli %arg1, %mul3A_52 : i32
    %add3A_54 = arith.addi %mul3A_51, %mul3A_53 : i32
    %add3A_55 = arith.constant 256 : i32
    %add3A_56 = arith.addi %add3A_54, %add3A_55 : i32
    "tpu.region"() ({
      %run_scoped3A = tpu.sem_alloc : memref<!tpu.dma_semaphore, #tpu.memory_space<semaphore_mem>>
      %dma_start3A = arith.constant 0 : i32
      %dma_start3A_79 = tpu.memref_slice %arg6[%add3A_56, %dma_start3A] : memref<20480x128xf32, #tpu.memory_space<hbm>> -> memref<128x128xf32, #tpu.memory_space<hbm>>
      %dma_start3A_80 = arith.constant 0 : i32
      %dma_start3A_81 = tpu.memref_slice %arg6[%add3A_56, %dma_start3A_80] : memref<20480x128xf32, #tpu.memory_space<hbm>> -> memref<128x128xf32, #tpu.memory_space<hbm>>
      tpu.enqueue_dma source(%arg10 : memref<128x128xf32, #tpu.memory_space<vmem>>) target(%dma_start3A_81 : memref<128x128xf32, #tpu.memory_space<hbm>>) target_semaphore(%run_scoped3A : memref<!tpu.dma_semaphore, #tpu.memory_space<semaphore_mem>>)
      %dma_wait3A = arith.constant 0 : i32
      %dma_wait3A_82 = tpu.memref_slice %arg6[%add3A_56, %dma_wait3A] : memref<20480x128xf32, #tpu.memory_space<hbm>> -> memref<128x128xf32, #tpu.memory_space<hbm>>
      %dma_wait3A_83 = arith.constant 0 : i32
      %dma_wait3A_84 = tpu.memref_slice %arg6[%add3A_56, %dma_wait3A_83] : memref<20480x128xf32, #tpu.memory_space<hbm>> -> memref<128x128xf32, #tpu.memory_space<hbm>>
      tpu.wait_dma2 semaphore(%run_scoped3A : memref<!tpu.dma_semaphore, #tpu.memory_space<semaphore_mem>>) src(%arg10 : memref<128x128xf32, #tpu.memory_space<vmem>>) dst(%dma_wait3A_84 : memref<128x128xf32, #tpu.memory_space<hbm>>)
      tpu.yield
    }) : () -> ()
    %mul3A_57 = arith.constant 640 : i32
    %mul3A_58 = arith.muli %arg1, %mul3A_57 : i32
    %add3A_59 = arith.constant 384 : i32
    %add3A_60 = arith.addi %mul3A_58, %add3A_59 : i32
    "tpu.region"() ({
      %run_scoped3A = tpu.sem_alloc : memref<!tpu.dma_semaphore, #tpu.memory_space<semaphore_mem>>
      %dma_start3A = arith.constant 0 : i32
      %dma_start3A_79 = tpu.memref_slice %arg7[%add3A_60, %dma_start3A] : memref<10240x128xf32, #tpu.memory_space<vmem_shared>> -> memref<128x128xf32, #tpu.memory_space<vmem_shared>>
      %dma_start3A_80 = arith.constant 0 : i32
      %dma_start3A_81 = tpu.memref_slice %arg7[%add3A_60, %dma_start3A_80] : memref<10240x128xf32, #tpu.memory_space<vmem_shared>> -> memref<128x128xf32, #tpu.memory_space<vmem_shared>>
      tpu.enqueue_dma source(%dma_start3A_81 : memref<128x128xf32, #tpu.memory_space<vmem_shared>>) target(%arg10 : memref<128x128xf32, #tpu.memory_space<vmem>>) target_semaphore(%run_scoped3A : memref<!tpu.dma_semaphore, #tpu.memory_space<semaphore_mem>>)
      %dma_wait3A = arith.constant 0 : i32
      %dma_wait3A_82 = tpu.memref_slice %arg7[%add3A_60, %dma_wait3A] : memref<10240x128xf32, #tpu.memory_space<vmem_shared>> -> memref<128x128xf32, #tpu.memory_space<vmem_shared>>
      %dma_wait3A_83 = arith.constant 0 : i32
      %dma_wait3A_84 = tpu.memref_slice %arg7[%add3A_60, %dma_wait3A_83] : memref<10240x128xf32, #tpu.memory_space<vmem_shared>> -> memref<128x128xf32, #tpu.memory_space<vmem_shared>>
      tpu.wait_dma2 semaphore(%run_scoped3A : memref<!tpu.dma_semaphore, #tpu.memory_space<semaphore_mem>>) src(%dma_wait3A_84 : memref<128x128xf32, #tpu.memory_space<vmem_shared>>) dst(%arg10 : memref<128x128xf32, #tpu.memory_space<vmem>>)
      tpu.yield
    }) : () -> ()
    %mul3A_61 = arith.constant 10240 : i32
    %mul3A_62 = arith.muli %arg0, %mul3A_61 : i32
    %mul3A_63 = arith.constant 640 : i32
    %mul3A_64 = arith.muli %arg1, %mul3A_63 : i32
    %add3A_65 = arith.addi %mul3A_62, %mul3A_64 : i32
    %add3A_66 = arith.constant 384 : i32
    %add3A_67 = arith.addi %add3A_65, %add3A_66 : i32
    "tpu.region"() ({
      %run_scoped3A = tpu.sem_alloc : memref<!tpu.dma_semaphore, #tpu.memory_space<semaphore_mem>>
      %dma_start3A = arith.constant 0 : i32
      %dma_start3A_79 = tpu.memref_slice %arg6[%add3A_67, %dma_start3A] : memref<20480x128xf32, #tpu.memory_space<hbm>> -> memref<128x128xf32, #tpu.memory_space<hbm>>
      %dma_start3A_80 = arith.constant 0 : i32
      %dma_start3A_81 = tpu.memref_slice %arg6[%add3A_67, %dma_start3A_80] : memref<20480x128xf32, #tpu.memory_space<hbm>> -> memref<128x128xf32, #tpu.memory_space<hbm>>
      tpu.enqueue_dma source(%arg10 : memref<128x128xf32, #tpu.memory_space<vmem>>) target(%dma_start3A_81 : memref<128x128xf32, #tpu.memory_space<hbm>>) target_semaphore(%run_scoped3A : memref<!tpu.dma_semaphore, #tpu.memory_space<semaphore_mem>>)
      %dma_wait3A = arith.constant 0 : i32
      %dma_wait3A_82 = tpu.memref_slice %arg6[%add3A_67, %dma_wait3A] : memref<20480x128xf32, #tpu.memory_space<hbm>> -> memref<128x128xf32, #tpu.memory_space<hbm>>
      %dma_wait3A_83 = arith.constant 0 : i32
      %dma_wait3A_84 = tpu.memref_slice %arg6[%add3A_67, %dma_wait3A_83] : memref<20480x128xf32, #tpu.memory_space<hbm>> -> memref<128x128xf32, #tpu.memory_space<hbm>>
      tpu.wait_dma2 semaphore(%run_scoped3A : memref<!tpu.dma_semaphore, #tpu.memory_space<semaphore_mem>>) src(%arg10 : memref<128x128xf32, #tpu.memory_space<vmem>>) dst(%dma_wait3A_84 : memref<128x128xf32, #tpu.memory_space<hbm>>)
      tpu.yield
    }) : () -> ()
    %mul3A_68 = arith.constant 640 : i32
    %mul3A_69 = arith.muli %arg1, %mul3A_68 : i32
    %add3A_70 = arith.constant 512 : i32
    %add3A_71 = arith.addi %mul3A_69, %add3A_70 : i32
    "tpu.region"() ({
      %run_scoped3A = tpu.sem_alloc : memref<!tpu.dma_semaphore, #tpu.memory_space<semaphore_mem>>
      %dma_start3A = arith.constant 0 : i32
      %dma_start3A_79 = tpu.memref_slice %arg7[%add3A_71, %dma_start3A] : memref<10240x128xf32, #tpu.memory_space<vmem_shared>> -> memref<128x128xf32, #tpu.memory_space<vmem_shared>>
      %dma_start3A_80 = arith.constant 0 : i32
      %dma_start3A_81 = tpu.memref_slice %arg7[%add3A_71, %dma_start3A_80] : memref<10240x128xf32, #tpu.memory_space<vmem_shared>> -> memref<128x128xf32, #tpu.memory_space<vmem_shared>>
      tpu.enqueue_dma source(%dma_start3A_81 : memref<128x128xf32, #tpu.memory_space<vmem_shared>>) target(%arg10 : memref<128x128xf32, #tpu.memory_space<vmem>>) target_semaphore(%run_scoped3A : memref<!tpu.dma_semaphore, #tpu.memory_space<semaphore_mem>>)
      %dma_wait3A = arith.constant 0 : i32
      %dma_wait3A_82 = tpu.memref_slice %arg7[%add3A_71, %dma_wait3A] : memref<10240x128xf32, #tpu.memory_space<vmem_shared>> -> memref<128x128xf32, #tpu.memory_space<vmem_shared>>
      %dma_wait3A_83 = arith.constant 0 : i32
      %dma_wait3A_84 = tpu.memref_slice %arg7[%add3A_71, %dma_wait3A_83] : memref<10240x128xf32, #tpu.memory_space<vmem_shared>> -> memref<128x128xf32, #tpu.memory_space<vmem_shared>>
      tpu.wait_dma2 semaphore(%run_scoped3A : memref<!tpu.dma_semaphore, #tpu.memory_space<semaphore_mem>>) src(%dma_wait3A_84 : memref<128x128xf32, #tpu.memory_space<vmem_shared>>) dst(%arg10 : memref<128x128xf32, #tpu.memory_space<vmem>>)
      tpu.yield
    }) : () -> ()
    %mul3A_72 = arith.constant 10240 : i32
    %mul3A_73 = arith.muli %arg0, %mul3A_72 : i32
    %mul3A_74 = arith.constant 640 : i32
    %mul3A_75 = arith.muli %arg1, %mul3A_74 : i32
    %add3A_76 = arith.addi %mul3A_73, %mul3A_75 : i32
    %add3A_77 = arith.constant 512 : i32
    %add3A_78 = arith.addi %add3A_76, %add3A_77 : i32
    "tpu.region"() ({
      %run_scoped3A = tpu.sem_alloc : memref<!tpu.dma_semaphore, #tpu.memory_space<semaphore_mem>>
      %dma_start3A = arith.constant 0 : i32
      %dma_start3A_79 = tpu.memref_slice %arg6[%add3A_78, %dma_start3A] : memref<20480x128xf32, #tpu.memory_space<hbm>> -> memref<128x128xf32, #tpu.memory_space<hbm>>
      %dma_start3A_80 = arith.constant 0 : i32
      %dma_start3A_81 = tpu.memref_slice %arg6[%add3A_78, %dma_start3A_80] : memref<20480x128xf32, #tpu.memory_space<hbm>> -> memref<128x128xf32, #tpu.memory_space<hbm>>
      tpu.enqueue_dma source(%arg10 : memref<128x128xf32, #tpu.memory_space<vmem>>) target(%dma_start3A_81 : memref<128x128xf32, #tpu.memory_space<hbm>>) target_semaphore(%run_scoped3A : memref<!tpu.dma_semaphore, #tpu.memory_space<semaphore_mem>>)
      %dma_wait3A = arith.constant 0 : i32
      %dma_wait3A_82 = tpu.memref_slice %arg6[%add3A_78, %dma_wait3A] : memref<20480x128xf32, #tpu.memory_space<hbm>> -> memref<128x128xf32, #tpu.memory_space<hbm>>
      %dma_wait3A_83 = arith.constant 0 : i32
      %dma_wait3A_84 = tpu.memref_slice %arg6[%add3A_78, %dma_wait3A_83] : memref<20480x128xf32, #tpu.memory_space<hbm>> -> memref<128x128xf32, #tpu.memory_space<hbm>>
      tpu.wait_dma2 semaphore(%run_scoped3A : memref<!tpu.dma_semaphore, #tpu.memory_space<semaphore_mem>>) src(%arg10 : memref<128x128xf32, #tpu.memory_space<vmem>>) dst(%dma_wait3A_84 : memref<128x128xf32, #tpu.memory_space<hbm>>)
      tpu.yield
    }) : () -> ()
    return
  }
}

module attributes {stable_mosaic.version = 14 : i64} {
  func.func @body(%arg0: i32, %arg1: memref<512x128xf32, #tpu.memory_space<vmem>>, %arg2: memref<128x128xf32, #tpu.memory_space<vmem>>, %arg3: memref<512x128xf32, #tpu.memory_space<vmem>>, %arg4: memref<512x128xf32, #tpu.memory_space<vmem>>, %arg5: memref<512x128xf32, #tpu.memory_space<vmem>>, %arg6: memref<512x128xf32, #tpu.memory_space<vmem>>) attributes {dimension_semantics = [#tpu.dimension_semantics<arbitrary>], iteration_bounds = array<i64: 20>, scalar_prefetch = 0 : i64, scratch_operands = 0 : i64, tpu.core_type = #tpu.core_type<tc>, window_params = [{transform_indices = @transform_0, window_bounds = array<i64: 512, 128>}, {pipeline_mode = #tpu.pipeline_mode<synchronous>, transform_indices = @transform_1, window_bounds = array<i64: 128, 128>}, {transform_indices = @transform_2, window_bounds = array<i64: 512, 128>}, {transform_indices = @transform_3, window_bounds = array<i64: 512, 128>}, {transform_indices = @transform_4, window_bounds = array<i64: 512, 128>}, {transform_indices = @transform_5, window_bounds = array<i64: 512, 128>}]} {
    %get3A = arith.constant 0 : index
    %get3A_0 = arith.constant 0 : index
    %get3A_1 = vector.load %arg1[%get3A, %get3A_0] : memref<512x128xf32, #tpu.memory_space<vmem>>, vector<512x128xf32>
    %get3A_2 = arith.constant 0 : index
    %get3A_3 = arith.constant 0 : index
    %get3A_4 = vector.load %arg2[%get3A_2, %get3A_3] : memref<128x128xf32, #tpu.memory_space<vmem>>, vector<128x128xf32>
    %dot_general3A = arith.constant dense<0.000000e+00> : vector<512x128xf32>
    %dot_general3A_5 = tpu.matmul %get3A_1, %get3A_4, %dot_general3A {dimension_numbers = #tpu.dot_dimension_numbers<[1], [0], [0], [1], [0, 0, 1, 1], [], []>, precision = #tpu.contract_precision<fp32>, transpose_lhs_hint = false} : vector<512x128xf32>, vector<128x128xf32>, vector<512x128xf32> -> vector<512x128xf32>
    %get3A_6 = arith.constant 0 : index
    %get3A_7 = arith.constant 0 : index
    %get3A_8 = vector.load %arg3[%get3A_6, %get3A_7] : memref<512x128xf32, #tpu.memory_space<vmem>>, vector<512x1xf32>
    %add3A = arith.constant 2.000000e+00 : f32
    %add3A_9 = vector.broadcast %add3A : f32 to vector<512x1xf32>
    %add3A_10 = arith.addf %get3A_8, %add3A_9 : vector<512x1xf32>
    %rsqrt3A = math.rsqrt %add3A_10 : vector<512x1xf32>
    %get3A_11 = arith.constant 0 : index
    %get3A_12 = arith.constant 0 : index
    %get3A_13 = vector.load %arg4[%get3A_11, %get3A_12] : memref<512x128xf32, #tpu.memory_space<vmem>>, vector<512x1xf32>
    %gt3A = arith.constant 0.000000e+00 : f32
    %gt3A_14 = vector.broadcast %gt3A : f32 to vector<512x1xf32>
    %gt3A_15 = arith.cmpf ogt, %get3A_13, %gt3A_14 : vector<512x1xf32>
    %max3A = arith.constant 9.99999996E-13 : f32
    %max3A_16 = vector.broadcast %max3A : f32 to vector<512x1xf32>
    %max3A_17 = arith.maximumf %get3A_13, %max3A_16 : vector<512x1xf32>
    %rsqrt3A_18 = math.rsqrt %max3A_17 : vector<512x1xf32>
    %jit3A = arith.constant 0.000000e+00 : f32
    %broadcast_in_dim3A = vector.broadcast %jit3A : f32 to vector<512x1xf32>
    %select_n3A = arith.select %gt3A_15, %rsqrt3A_18, %broadcast_in_dim3A : vector<512x1xi1>, vector<512x1xf32>
    %mul3A = vector.broadcast %rsqrt3A : vector<512x1xf32> to vector<512x128xf32>
    %mul3A_19 = arith.mulf %mul3A, %dot_general3A_5 : vector<512x128xf32>
    %swap3A = arith.constant 0 : index
    %swap3A_20 = arith.constant 0 : index
    %swap3A_21 = vector.load %arg5[%swap3A, %swap3A_20] : memref<512x128xf32, #tpu.memory_space<vmem>>, vector<512x128xf32>
    tpu.vector_store %arg5[%swap3A, %swap3A_20], %mul3A_19 {strides = array<i32>} : memref<512x128xf32, #tpu.memory_space<vmem>>, vector<512x128xf32>,
    %iota3A = tpu.iota {dimensions = array<i32: 1>} : vector<512x128xi32>
    %eq3A = arith.constant 0 : i32
    %eq3A_22 = vector.broadcast %eq3A : i32 to vector<512x128xi32>
    %eq3A_23 = arith.cmpi eq, %iota3A, %eq3A_22 : vector<512x128xi32>
    %eq3A_24 = arith.constant 1 : i32
    %eq3A_25 = vector.broadcast %eq3A_24 : i32 to vector<512x128xi32>
    %eq3A_26 = arith.cmpi eq, %iota3A, %eq3A_25 : vector<512x128xi32>
    %jit3A_27 = arith.constant 0.000000e+00 : f32
    %broadcast_in_dim3A_28 = vector.shape_cast %select_n3A : vector<512x1xf32> to vector<512x1xf32>
    %broadcast_in_dim3A_29 = vector.broadcast %broadcast_in_dim3A_28 : vector<512x1xf32> to vector<512x128xf32>
    %broadcast_in_dim3A_30 = vector.broadcast %jit3A_27 : f32 to vector<512x128xf32>
    %select_n3A_31 = arith.select %eq3A_26, %broadcast_in_dim3A_29, %broadcast_in_dim3A_30 : vector<512x128xi1>, vector<512x128xf32>
    %broadcast_in_dim3A_32 = vector.shape_cast %rsqrt3A : vector<512x1xf32> to vector<512x1xf32>
    %broadcast_in_dim3A_33 = vector.broadcast %broadcast_in_dim3A_32 : vector<512x1xf32> to vector<512x128xf32>
    %select_n3A_34 = arith.select %eq3A_23, %broadcast_in_dim3A_33, %select_n3A_31 : vector<512x128xi1>, vector<512x128xf32>
    %swap3A_35 = arith.constant 0 : index
    %swap3A_36 = arith.constant 0 : index
    %swap3A_37 = vector.load %arg6[%swap3A_35, %swap3A_36] : memref<512x128xf32, #tpu.memory_space<vmem>>, vector<512x128xf32>
    tpu.vector_store %arg6[%swap3A_35, %swap3A_36], %select_n3A_34 {strides = array<i32>} : memref<512x128xf32, #tpu.memory_space<vmem>>, vector<512x128xf32>,
    return
  }
  func.func @transform_0(%arg0: i32) -> (i32, i32) {
    %c0_i32 = arith.constant 0 : i32
    %c0_i32_0 = arith.constant 0 : i32
    return %arg0, %c0_i32 : i32, i32
  }
  func.func @transform_1(%arg0: i32) -> (i32, i32) {
    %c0_i32 = arith.constant 0 : i32
    %c0_i32_0 = arith.constant 0 : i32
    %c0_i32_1 = arith.constant 0 : i32
    return %c0_i32, %c0_i32_0 : i32, i32
  }
  func.func @transform_2(%arg0: i32) -> (i32, i32) {
    %c0_i32 = arith.constant 0 : i32
    %c0_i32_0 = arith.constant 0 : i32
    return %arg0, %c0_i32 : i32, i32
  }
  func.func @transform_3(%arg0: i32) -> (i32, i32) {
    %c0_i32 = arith.constant 0 : i32
    %c0_i32_0 = arith.constant 0 : i32
    return %arg0, %c0_i32 : i32, i32
  }
  func.func @transform_4(%arg0: i32) -> (i32, i32) {
    %c0_i32 = arith.constant 0 : i32
    %c0_i32_0 = arith.constant 0 : i32
    return %arg0, %c0_i32 : i32, i32
  }
  func.func @transform_5(%arg0: i32) -> (i32, i32) {
    %c0_i32 = arith.constant 0 : i32
    %c0_i32_0 = arith.constant 0 : i32
    return %arg0, %c0_i32 : i32, i32
  }
}

module attributes {stable_mosaic.version = 14 : i64} {
  func.func @body(%arg0: i32, %arg1: memref<512x128xf32, #tpu.memory_space<vmem>>, %arg2: memref<512x128xf32, #tpu.memory_space<vmem>>, %arg3: memref<512x128xf32, #tpu.memory_space<vmem>>, %arg4: memref<512x128xf32, #tpu.memory_space<vmem>>, %arg5: memref<1x128xf32, #tpu.memory_space<vmem>>, %arg6: memref<128x128xf32, #tpu.memory_space<vmem>>, %arg7: memref<128x128xf32, #tpu.memory_space<vmem>>, %arg8: memref<512x128xf32, #tpu.memory_space<vmem>>, %arg9: memref<512x128xf32, #tpu.memory_space<vmem>>, %arg10: memref<512x128xf32, #tpu.memory_space<vmem>>) attributes {dimension_semantics = [#tpu.dimension_semantics<arbitrary>], iteration_bounds = array<i64: 20>, scalar_prefetch = 0 : i64, scratch_operands = 0 : i64, tpu.core_type = #tpu.core_type<tc>, window_params = [{transform_indices = @transform_0, window_bounds = array<i64: 512, 128>}, {transform_indices = @transform_1, window_bounds = array<i64: 512, 128>}, {transform_indices = @transform_2, window_bounds = array<i64: 512, 128>}, {transform_indices = @transform_3, window_bounds = array<i64: 512, 128>}, {pipeline_mode = #tpu.pipeline_mode<synchronous>, transform_indices = @transform_4, window_bounds = array<i64: 1, 128>}, {pipeline_mode = #tpu.pipeline_mode<synchronous>, transform_indices = @transform_5, window_bounds = array<i64: 128, 128>}, {pipeline_mode = #tpu.pipeline_mode<synchronous>, transform_indices = @transform_6, window_bounds = array<i64: 128, 128>}, {transform_indices = @transform_7, window_bounds = array<i64: 512, 128>}, {transform_indices = @transform_8, window_bounds = array<i64: 512, 128>}, {transform_indices = @transform_9, window_bounds = array<i64: 512, 128>}]} {
    %get3A = arith.constant 0 : index
    %get3A_0 = arith.constant 0 : index
    %get3A_1 = vector.load %arg4[%get3A, %get3A_0] : memref<512x128xf32, #tpu.memory_space<vmem>>, vector<512x1xf32>
    %get3A_2 = arith.constant 0 : index
    %get3A_3 = arith.constant 1 : index
    %get3A_4 = vector.load %arg4[%get3A_2, %get3A_3] : memref<512x128xf32, #tpu.memory_space<vmem>>, vector<512x1xf32>
    %get3A_5 = arith.constant 0 : index
    %get3A_6 = arith.constant 0 : index
    %get3A_7 = vector.load %arg1[%get3A_5, %get3A_6] : memref<512x128xf32, #tpu.memory_space<vmem>>, vector<512x128xf32>
    %get3A_8 = arith.constant 0 : index
    %get3A_9 = arith.constant 0 : index
    %get3A_10 = vector.load %arg2[%get3A_8, %get3A_9] : memref<512x128xf32, #tpu.memory_space<vmem>>, vector<512x128xf32>
    %add3A = arith.addf %get3A_7, %get3A_10 : vector<512x128xf32>
    %mul3A = vector.broadcast %get3A_1 : vector<512x1xf32> to vector<512x128xf32>
    %mul3A_11 = arith.mulf %mul3A, %add3A : vector<512x128xf32>
    %mul3A_12 = arith.constant 2.000000e+00 : f32
    %mul3A_13 = vector.broadcast %mul3A_12 : f32 to vector<512x1xf32>
    %mul3A_14 = arith.mulf %mul3A_13, %get3A_1 : vector<512x1xf32>
    %get3A_15 = arith.constant 0 : index
    %get3A_16 = arith.constant 0 : index
    %get3A_17 = vector.load %arg3[%get3A_15, %get3A_16] : memref<512x128xf32, #tpu.memory_space<vmem>>, vector<512x128xf32>
    %mul3A_18 = vector.broadcast %mul3A_14 : vector<512x1xf32> to vector<512x128xf32>
    %mul3A_19 = arith.mulf %mul3A_18, %get3A_17 : vector<512x128xf32>
    %add3A_20 = arith.addf %mul3A_11, %mul3A_19 : vector<512x128xf32>
    %get3A_21 = arith.constant 0 : index
    %get3A_22 = arith.constant 0 : index
    %get3A_23 = vector.load %arg5[%get3A_21, %get3A_22] : memref<1x128xf32, #tpu.memory_space<vmem>>, vector<1x128xf32>
    %add3A_24 = vector.broadcast %get3A_23 : vector<1x128xf32> to vector<512x128xf32>
    %add3A_25 = arith.addf %add3A_20, %add3A_24 : vector<512x128xf32>
    %max3A = arith.constant 0.000000e+00 : f32
    %max3A_26 = vector.broadcast %max3A : f32 to vector<512x128xf32>
    %max3A_27 = arith.maximumf %add3A_25, %max3A_26 : vector<512x128xf32>
    %mul3A_28 = arith.constant 512 : i32
    %mul3A_29 = arith.muli %arg0, %mul3A_28 : i32
    %iota3A = tpu.iota {dimensions = array<i32: 0>} : vector<512x1xi32>
    %add3A_30 = vector.broadcast %mul3A_29 : i32 to vector<512x1xi32>
    %add3A_31 = arith.addi %add3A_30, %iota3A : vector<512x1xi32>
    %lt3A = arith.constant 10000 : i32
    %lt3A_32 = vector.broadcast %lt3A : i32 to vector<512x1xi32>
    %lt3A_33 = arith.cmpi slt, %add3A_31, %lt3A_32 : vector<512x1xi32>
    %jit3A = arith.constant 0.000000e+00 : f32
    %broadcast_in_dim3A = vector.shape_cast %lt3A_33 : vector<512x1xi1> to vector<512x1xi1>
    %broadcast_in_dim3A_34 = vector.broadcast %broadcast_in_dim3A : vector<512x1xi1> to vector<512x128xi1>
    %broadcast_in_dim3A_35 = vector.broadcast %jit3A : f32 to vector<512x128xf32>
    %select_n3A = arith.select %broadcast_in_dim3A_34, %max3A_27, %broadcast_in_dim3A_35 : vector<512x128xi1>, vector<512x128xf32>
    %mul3A_36 = vector.broadcast %get3A_4 : vector<512x1xf32> to vector<512x128xf32>
    %mul3A_37 = arith.mulf %mul3A_36, %select_n3A : vector<512x128xf32>
    %swap3A = arith.constant 0 : index
    %swap3A_38 = arith.constant 0 : index
    %swap3A_39 = vector.load %arg8[%swap3A, %swap3A_38] : memref<512x128xf32, #tpu.memory_space<vmem>>, vector<512x128xf32>
    tpu.vector_store %arg8[%swap3A, %swap3A_38], %mul3A_37 {strides = array<i32>} : memref<512x128xf32, #tpu.memory_space<vmem>>, vector<512x128xf32>,
    %get3A_40 = arith.constant 0 : index
    %get3A_41 = arith.constant 0 : index
    %get3A_42 = vector.load %arg6[%get3A_40, %get3A_41] : memref<128x128xf32, #tpu.memory_space<vmem>>, vector<128x128xf32>
    %dot_general3A = arith.constant dense<0.000000e+00> : vector<512x128xf32>
    %dot_general3A_43 = tpu.matmul %select_n3A, %get3A_42, %dot_general3A {dimension_numbers = #tpu.dot_dimension_numbers<[1], [0], [0], [1], [0, 0, 1, 1], [], []>, precision = #tpu.contract_precision<fp32>, transpose_lhs_hint = false} : vector<512x128xf32>, vector<128x128xf32>, vector<512x128xf32> -> vector<512x128xf32>
    %swap3A_44 = arith.constant 0 : index
    %swap3A_45 = arith.constant 0 : index
    %swap3A_46 = vector.load %arg9[%swap3A_44, %swap3A_45] : memref<512x128xf32, #tpu.memory_space<vmem>>, vector<512x128xf32>
    tpu.vector_store %arg9[%swap3A_44, %swap3A_45], %dot_general3A_43 {strides = array<i32>} : memref<512x128xf32, #tpu.memory_space<vmem>>, vector<512x128xf32>,
    %get3A_47 = arith.constant 0 : index
    %get3A_48 = arith.constant 0 : index
    %get3A_49 = vector.load %arg7[%get3A_47, %get3A_48] : memref<128x128xf32, #tpu.memory_space<vmem>>, vector<128x128xf32>
    %dot_general3A_50 = arith.constant dense<0.000000e+00> : vector<512x128xf32>
    %dot_general3A_51 = tpu.matmul %select_n3A, %get3A_49, %dot_general3A_50 {dimension_numbers = #tpu.dot_dimension_numbers<[1], [0], [0], [1], [0, 0, 1, 1], [], []>, precision = #tpu.contract_precision<fp32>, transpose_lhs_hint = false} : vector<512x128xf32>, vector<128x128xf32>, vector<512x128xf32> -> vector<512x128xf32>
    %swap3A_52 = arith.constant 0 : index
    %swap3A_53 = arith.constant 0 : index
    %swap3A_54 = vector.load %arg10[%swap3A_52, %swap3A_53] : memref<512x128xf32, #tpu.memory_space<vmem>>, vector<512x128xf32>
    tpu.vector_store %arg10[%swap3A_52, %swap3A_53], %dot_general3A_51 {strides = array<i32>} : memref<512x128xf32, #tpu.memory_space<vmem>>, vector<512x128xf32>,
    return
  }
  func.func @transform_0(%arg0: i32) -> (i32, i32) {
    %c0_i32 = arith.constant 0 : i32
    %c0_i32_0 = arith.constant 0 : i32
    return %arg0, %c0_i32 : i32, i32
  }
  func.func @transform_1(%arg0: i32) -> (i32, i32) {
    %c0_i32 = arith.constant 0 : i32
    %c0_i32_0 = arith.constant 0 : i32
    return %arg0, %c0_i32 : i32, i32
  }
  func.func @transform_2(%arg0: i32) -> (i32, i32) {
    %c0_i32 = arith.constant 0 : i32
    %c0_i32_0 = arith.constant 0 : i32
    return %arg0, %c0_i32 : i32, i32
  }
  func.func @transform_3(%arg0: i32) -> (i32, i32) {
    %c0_i32 = arith.constant 0 : i32
    %c0_i32_0 = arith.constant 0 : i32
    return %arg0, %c0_i32 : i32, i32
  }
  func.func @transform_4(%arg0: i32) -> (i32, i32) {
    %c0_i32 = arith.constant 0 : i32
    %c0_i32_0 = arith.constant 0 : i32
    %c0_i32_1 = arith.constant 0 : i32
    return %c0_i32, %c0_i32_0 : i32, i32
  }
  func.func @transform_5(%arg0: i32) -> (i32, i32) {
    %c0_i32 = arith.constant 0 : i32
    %c0_i32_0 = arith.constant 0 : i32
    %c0_i32_1 = arith.constant 0 : i32
    return %c0_i32, %c0_i32_0 : i32, i32
  }
  func.func @transform_6(%arg0: i32) -> (i32, i32) {
    %c0_i32 = arith.constant 0 : i32
    %c0_i32_0 = arith.constant 0 : i32
    %c0_i32_1 = arith.constant 0 : i32
    return %c0_i32, %c0_i32_0 : i32, i32
  }
  func.func @transform_7(%arg0: i32) -> (i32, i32) {
    %c0_i32 = arith.constant 0 : i32
    %c0_i32_0 = arith.constant 0 : i32
    return %arg0, %c0_i32 : i32, i32
  }
  func.func @transform_8(%arg0: i32) -> (i32, i32) {
    %c0_i32 = arith.constant 0 : i32
    %c0_i32_0 = arith.constant 0 : i32
    return %arg0, %c0_i32 : i32, i32
  }
  func.func @transform_9(%arg0: i32) -> (i32, i32) {
    %c0_i32 = arith.constant 0 : i32
    %c0_i32_0 = arith.constant 0 : i32
    return %arg0, %c0_i32 : i32, i32
  }
}

module attributes {stable_mosaic.version = 14 : i64} {
  func.func @body(%arg0: i32, %arg1: memref<512x128xf32, #tpu.memory_space<vmem>>, %arg2: memref<512x128xf32, #tpu.memory_space<vmem>>, %arg3: memref<512x128xf32, #tpu.memory_space<vmem>>, %arg4: memref<512x128xf32, #tpu.memory_space<vmem>>, %arg5: memref<512x128xf32, #tpu.memory_space<vmem>>, %arg6: memref<128x128xf32, #tpu.memory_space<vmem>>, %arg7: memref<128x128xf32, #tpu.memory_space<vmem>>, %arg8: memref<1x128xf32, #tpu.memory_space<vmem>>, %arg9: memref<1x128xf32, #tpu.memory_space<vmem>>, %arg10: memref<128x128xf32, #tpu.memory_space<vmem>>, %arg11: memref<1x128xf32, #tpu.memory_space<vmem>>, %arg12: memref<512x128xf32, #tpu.memory_space<vmem>>) attributes {dimension_semantics = [#tpu.dimension_semantics<arbitrary>], iteration_bounds = array<i64: 20>, scalar_prefetch = 0 : i64, scratch_operands = 0 : i64, tpu.core_type = #tpu.core_type<tc>, window_params = [{transform_indices = @transform_0, window_bounds = array<i64: 512, 128>}, {transform_indices = @transform_1, window_bounds = array<i64: 512, 128>}, {transform_indices = @transform_2, window_bounds = array<i64: 512, 128>}, {transform_indices = @transform_3, window_bounds = array<i64: 512, 128>}, {transform_indices = @transform_4, window_bounds = array<i64: 512, 128>}, {pipeline_mode = #tpu.pipeline_mode<synchronous>, transform_indices = @transform_5, window_bounds = array<i64: 128, 128>}, {pipeline_mode = #tpu.pipeline_mode<synchronous>, transform_indices = @transform_6, window_bounds = array<i64: 128, 128>}, {pipeline_mode = #tpu.pipeline_mode<synchronous>, transform_indices = @transform_7, window_bounds = array<i64: 1, 128>}, {pipeline_mode = #tpu.pipeline_mode<synchronous>, transform_indices = @transform_8, window_bounds = array<i64: 1, 128>}, {pipeline_mode = #tpu.pipeline_mode<synchronous>, transform_indices = @transform_9, window_bounds = array<i64: 128, 128>}, {pipeline_mode = #tpu.pipeline_mode<synchronous>, transform_indices = @transform_10, window_bounds = array<i64: 1, 128>}, {transform_indices = @transform_11, window_bounds = array<i64: 512, 128>}]} {
    %get3A = arith.constant 0 : index
    %get3A_0 = arith.constant 1 : index
    %get3A_1 = vector.load %arg3[%get3A, %get3A_0] : memref<512x128xf32, #tpu.memory_space<vmem>>, vector<512x1xf32>
    %neg3A = arith.constant 0.000000e+00 : f32
    %neg3A_2 = vector.broadcast %neg3A : f32 to vector<512x1xf32>
    %neg3A_3 = arith.subf %neg3A_2, %get3A_1 : vector<512x1xf32>
    %get3A_4 = arith.constant 0 : index
    %get3A_5 = arith.constant 0 : index
    %get3A_6 = vector.load %arg1[%get3A_4, %get3A_5] : memref<512x128xf32, #tpu.memory_space<vmem>>, vector<512x128xf32>
    %get3A_7 = arith.constant 0 : index
    %get3A_8 = arith.constant 0 : index
    %get3A_9 = vector.load %arg2[%get3A_7, %get3A_8] : memref<512x128xf32, #tpu.memory_space<vmem>>, vector<512x128xf32>
    %add3A = arith.addf %get3A_6, %get3A_9 : vector<512x128xf32>
    %mul3A = vector.broadcast %neg3A_3 : vector<512x1xf32> to vector<512x128xf32>
    %mul3A_10 = arith.mulf %mul3A, %add3A : vector<512x128xf32>
    %get3A_11 = arith.constant 0 : index
    %get3A_12 = arith.constant 0 : index
    %get3A_13 = vector.load %arg4[%get3A_11, %get3A_12] : memref<512x128xf32, #tpu.memory_space<vmem>>, vector<512x128xf32>
    %get3A_14 = arith.constant 0 : index
    %get3A_15 = arith.constant 0 : index
    %get3A_16 = vector.load %arg6[%get3A_14, %get3A_15] : memref<128x128xf32, #tpu.memory_space<vmem>>, vector<128x128xf32>
    %dot_general3A = arith.constant dense<0.000000e+00> : vector<512x128xf32>
    %dot_general3A_17 = tpu.matmul %mul3A_10, %get3A_16, %dot_general3A {dimension_numbers = #tpu.dot_dimension_numbers<[1], [0], [0], [1], [0, 0, 1, 1], [], []>, precision = #tpu.contract_precision<fp32>, transpose_lhs_hint = false} : vector<512x128xf32>, vector<128x128xf32>, vector<512x128xf32> -> vector<512x128xf32>
    %add3A_18 = arith.addf %get3A_13, %dot_general3A_17 : vector<512x128xf32>
    %get3A_19 = arith.constant 0 : index
    %get3A_20 = arith.constant 0 : index
    %get3A_21 = vector.load %arg8[%get3A_19, %get3A_20] : memref<1x128xf32, #tpu.memory_space<vmem>>, vector<1x128xf32>
    %add3A_22 = vector.broadcast %get3A_21 : vector<1x128xf32> to vector<512x128xf32>
    %add3A_23 = arith.addf %add3A_18, %add3A_22 : vector<512x128xf32>
    %logistic3A = arith.negf %add3A_23 : vector<512x128xf32>
    %logistic3A_24 = math.exp %logistic3A : vector<512x128xf32>
    %logistic3A_25 = arith.constant 1.000000e+00 : f32
    %logistic3A_26 = vector.broadcast %logistic3A_25 : f32 to vector<512x128xf32>
    %logistic3A_27 = arith.addf %logistic3A_26, %logistic3A_24 : vector<512x128xf32>
    %logistic3A_28 = arith.divf %logistic3A_26, %logistic3A_27 : vector<512x128xf32>
    %get3A_29 = arith.constant 0 : index
    %get3A_30 = arith.constant 0 : index
    %get3A_31 = vector.load %arg5[%get3A_29, %get3A_30] : memref<512x128xf32, #tpu.memory_space<vmem>>, vector<512x128xf32>
    %get3A_32 = arith.constant 0 : index
    %get3A_33 = arith.constant 0 : index
    %get3A_34 = vector.load %arg7[%get3A_32, %get3A_33] : memref<128x128xf32, #tpu.memory_space<vmem>>, vector<128x128xf32>
    %dot_general3A_35 = arith.constant dense<0.000000e+00> : vector<512x128xf32>
    %dot_general3A_36 = tpu.matmul %mul3A_10, %get3A_34, %dot_general3A_35 {dimension_numbers = #tpu.dot_dimension_numbers<[1], [0], [0], [1], [0, 0, 1, 1], [], []>, precision = #tpu.contract_precision<fp32>, transpose_lhs_hint = false} : vector<512x128xf32>, vector<128x128xf32>, vector<512x128xf32> -> vector<512x128xf32>
    %add3A_37 = arith.addf %get3A_31, %dot_general3A_36 : vector<512x128xf32>
    %get3A_38 = arith.constant 0 : index
    %get3A_39 = arith.constant 0 : index
    %get3A_40 = vector.load %arg9[%get3A_38, %get3A_39] : memref<1x128xf32, #tpu.memory_space<vmem>>, vector<1x128xf32>
    %add3A_41 = vector.broadcast %get3A_40 : vector<1x128xf32> to vector<512x128xf32>
    %add3A_42 = arith.addf %add3A_37, %add3A_41 : vector<512x128xf32>
    %tanh3A = math.tanh %add3A_42 : vector<512x128xf32>
    %sub3A = arith.constant 1.000000e+00 : f32
    %sub3A_43 = vector.broadcast %sub3A : f32 to vector<512x128xf32>
    %sub3A_44 = arith.subf %sub3A_43, %logistic3A_28 : vector<512x128xf32>
    %mul3A_45 = arith.mulf %sub3A_44, %tanh3A : vector<512x128xf32>
    %max3A = arith.constant 0.000000e+00 : f32
    %max3A_46 = vector.broadcast %max3A : f32 to vector<512x128xf32>
    %max3A_47 = arith.maximumf %mul3A_45, %max3A_46 : vector<512x128xf32>
    %get3A_48 = arith.constant 0 : index
    %get3A_49 = arith.constant 0 : index
    %get3A_50 = vector.load %arg10[%get3A_48, %get3A_49] : memref<128x128xf32, #tpu.memory_space<vmem>>, vector<128x128xf32>
    %dot_general3A_51 = arith.constant dense<0.000000e+00> : vector<512x128xf32>
    %dot_general3A_52 = tpu.matmul %max3A_47, %get3A_50, %dot_general3A_51 {dimension_numbers = #tpu.dot_dimension_numbers<[1], [0], [0], [1], [0, 0, 1, 1], [], []>, precision = #tpu.contract_precision<fp32>, transpose_lhs_hint = false} : vector<512x128xf32>, vector<128x128xf32>, vector<512x128xf32> -> vector<512x128xf32>
    %get3A_53 = arith.constant 0 : index
    %get3A_54 = arith.constant 0 : index
    %get3A_55 = vector.load %arg11[%get3A_53, %get3A_54] : memref<1x128xf32, #tpu.memory_space<vmem>>, vector<1x128xf32>
    %add3A_56 = vector.broadcast %get3A_55 : vector<1x128xf32> to vector<512x128xf32>
    %add3A_57 = arith.addf %dot_general3A_52, %add3A_56 : vector<512x128xf32>
    %swap3A = arith.constant 0 : index
    %swap3A_58 = arith.constant 0 : index
    %swap3A_59 = vector.load %arg12[%swap3A, %swap3A_58] : memref<512x128xf32, #tpu.memory_space<vmem>>, vector<512x128xf32>
    tpu.vector_store %arg12[%swap3A, %swap3A_58], %add3A_57 {strides = array<i32>} : memref<512x128xf32, #tpu.memory_space<vmem>>, vector<512x128xf32>,
    return
  }
  func.func @transform_0(%arg0: i32) -> (i32, i32) {
    %c0_i32 = arith.constant 0 : i32
    %c0_i32_0 = arith.constant 0 : i32
    return %arg0, %c0_i32 : i32, i32
  }
  func.func @transform_1(%arg0: i32) -> (i32, i32) {
    %c0_i32 = arith.constant 0 : i32
    %c0_i32_0 = arith.constant 0 : i32
    return %arg0, %c0_i32 : i32, i32
  }
  func.func @transform_2(%arg0: i32) -> (i32, i32) {
    %c0_i32 = arith.constant 0 : i32
    %c0_i32_0 = arith.constant 0 : i32
    return %arg0, %c0_i32 : i32, i32
  }
  func.func @transform_3(%arg0: i32) -> (i32, i32) {
    %c0_i32 = arith.constant 0 : i32
    %c0_i32_0 = arith.constant 0 : i32
    return %arg0, %c0_i32 : i32, i32
  }
  func.func @transform_4(%arg0: i32) -> (i32, i32) {
    %c0_i32 = arith.constant 0 : i32
    %c0_i32_0 = arith.constant 0 : i32
    return %arg0, %c0_i32 : i32, i32
  }
  func.func @transform_5(%arg0: i32) -> (i32, i32) {
    %c0_i32 = arith.constant 0 : i32
    %c0_i32_0 = arith.constant 0 : i32
    %c0_i32_1 = arith.constant 0 : i32
    return %c0_i32, %c0_i32_0 : i32, i32
  }
  func.func @transform_6(%arg0: i32) -> (i32, i32) {
    %c0_i32 = arith.constant 0 : i32
    %c0_i32_0 = arith.constant 0 : i32
    %c0_i32_1 = arith.constant 0 : i32
    return %c0_i32, %c0_i32_0 : i32, i32
  }
  func.func @transform_7(%arg0: i32) -> (i32, i32) {
    %c0_i32 = arith.constant 0 : i32
    %c0_i32_0 = arith.constant 0 : i32
    %c0_i32_1 = arith.constant 0 : i32
    return %c0_i32, %c0_i32_0 : i32, i32
  }
  func.func @transform_8(%arg0: i32) -> (i32, i32) {
    %c0_i32 = arith.constant 0 : i32
    %c0_i32_0 = arith.constant 0 : i32
    %c0_i32_1 = arith.constant 0 : i32
    return %c0_i32, %c0_i32_0 : i32, i32
  }
  func.func @transform_9(%arg0: i32) -> (i32, i32) {
    %c0_i32 = arith.constant 0 : i32
    %c0_i32_0 = arith.constant 0 : i32
    %c0_i32_1 = arith.constant 0 : i32
    return %c0_i32, %c0_i32_0 : i32, i32
  }
  func.func @transform_10(%arg0: i32) -> (i32, i32) {
    %c0_i32 = arith.constant 0 : i32
    %c0_i32_0 = arith.constant 0 : i32
    %c0_i32_1 = arith.constant 0 : i32
    return %c0_i32, %c0_i32_0 : i32, i32
  }
  func.func @transform_11(%arg0: i32) -> (i32, i32) {
    %c0_i32 = arith.constant 0 : i32
    %c0_i32_0 = arith.constant 0 : i32
    return %arg0, %c0_i32 : i32, i32
  }
}

</mosaic_0001>

<sc_bundles>
// kernel: kernel.11.cloned.1.call-start
scs
__scs_entry_jumppad:
0x0: {  	(pc) =	sbr.rel $0x88, $3  }
0x1: {  	(tag) =	ssettag $0x0;
	lr =	simm.s32 $0x1  }
0x2: {  	[smem:$0x3F95] =	sst lr;
	_ =	strace $0xD0000000  }
0x3: {  	_ = 	snop  }
0x4: {  	_ = 	snop  }
0x5: {  	_ = 	snop  }
0x6: {  	_ = 	snop  }
0x7: {  	_ = 	snop  }
__scs_overlays_trampoline_lowered:
0x8: {  	[smem:$0x3FA4] =	sst s0  }
0x9: {  	[smem:$0x3FA5] =	sst s1  }
0xa: {  	[smem:$0x3FA6] =	sst s2  }
0xb: {  	[smem:$0x3FA7] =	sst s3  }
0xc: {  	[smem:$0x3FA8] =	sst s4  }
0xd: {  	[smem:$0x3FA9] =	sst s5  }
0xe: {  	[smem:$0x3FAA] =	sst s6  }
0xf: {  	[smem:$0x3FAB] =	sst s7  }
0x10: {  	[smem:$0x3FAC] =	sst s8  }
0x11: {  	[smem:$0x3FAD] =	sst s9;
	s0 =	simm.s32 @!p0 $0x0  }
0x12: {  	s1 =	sld [smem:$0x3F93];
	s0 =	simm.s32 @p0 $0x1  }
0x13: {  	[smem:$0x3FAE] =	sst s0;
	s0 =	simm.s32 @!p1 $0x0  }
0x14: {  	s2 =	sld [smem:$0x3F92];
	s0 =	simm.s32 @p1 $0x1  }
0x15: {  	[smem:$0x3FAF] =	sst s0;
	s0 =	simm.s32 @!p2 $0x0  }
0x16: {  	s3 =	sld [smem:$0x3FDB];
	s0 =	simm.s32 @p2 $0x1  }
0x17: {  	s4 =	simm.s32 $0x1BF5;
	[smem:$0x3FB1] =	sst s0  }
0x18: {  	s0 =	sld [smem:$0x3F94];
	_ =	swait.ge [sflag:s4], $0x0  }
0x19: {  	s7 =	sld [smem:$0x3F95]  }
0x1a: {  	s8 =	sadd.s32 $0xFFFFE003, lr  }
0x1b: {  	s9 =	sadd.s32 $0xFFFFFEF7, lr;
	s5 =	simm.s32 $0xFFFFFFFF;
	p2 =	slt.u32 s8, $0xFFFFF086  }
0x1c: {  	p1 =	slt.u32 s9, $0xF7A;
	s5 =	simm.s32 @!p2 $0x0  }
0x1d: {  	s5 =	simm.s32 @p1 $0x1;
	p0 =	seq.s32 s7, s2  }
0x1e: {  	s7 =	smul.u32 @!p0 $0xF7A, s2;
	p2 =	seq.s32 @!p0 s5, $0x0  }
0x1f: {  	s9 =	smul.u32 $0xF7A, s1;
	s8 =	simm.s32 @!p0 $0x1BF5;
	p2 =	por !p2, p0  }
0x20: {  	[sflag:s8] =	ssyncset.s32 @!p0 $0xFFFFF086;
	s6 =	sadd.s32 @!p0 s3, s7;
	s7 =	simm.s32 @!p0 $0x108  }
0x21: {  	s3 =	sadd.s32 s3, s9;
	s6 =	sadd.s32 @!p0 $0x88, s6;
	s7 =	simm.s32 @p2 $0x1082  }
0x22: {  	[simem:s7], [sflag:s8] =	dma.local @!p0 [hbm:s6], $0xF7A  }
0x23: {  	s9 =	sor.u32 $0xD0000000, s2;
	s6 =	simm.s32 $0x108;
	_ =	swait.ge @!p0 [sflag:s8], $0x0  }
0x24: {  	s3 =	sadd.s32 $0x88, s3;
	s6 =	simm.s32 @!p1 $0x1082;
	[sflag:s4] =	ssyncset.s32 $0xFFFFF086  }
0x25: {  	[simem:s6], [sflag:s4] =	dma.local [hbm:s3], $0xF7A  }
0x26: {  	[smem:$0x3F95] =	sst s1;
	(tag) =	ssettag s2;
	_ =	strace s9  }
0x27: {  	s1 =	sld [smem:$0x3FA5]  }
0x28: {  	s2 =	sld [smem:$0x3FA6]  }
0x29: {  	s4 =	sld [smem:$0x3FA8]  }
0x2a: {  	p0 =	seq.s32 s5, $0x0;
	s5 =	sld [smem:$0x3FA9]  }
0x2b: {  	s6 =	sld [smem:$0x3FAA]  }
0x2c: {  	s7 =	sld [smem:$0x3FAB]  }
0x2d: {  	s3 =	simm.s32 $0x108;
	s8 =	sld [smem:$0x3FAC]  }
0x2e: {  	s3 =	simm.s32 @!p0 $0x1082;
	s9 =	sld [smem:$0x3FAD]  }
0x2f: {  	lr =	sadd.s32 s0, s3;
	s0 =	sld [smem:$0x3FA4]  }
0x30: {  	s3 =	sld [smem:$0x3FA7]  }
0x31: {  	[smem:$0x3FB0] =	sst s10  }
0x32: {  	s10 =	sld [smem:$0x3FAE];
	_ =	sdelay $0x3  }
0x33: {  	p0 =	seq.s32 s10, $0x1;
	s10 =	sld [smem:$0x3FB0];
	_ =	sdelay $0x3  }
0x34: {  	[smem:$0x3FB0] =	sst s10  }
0x35: {  	s10 =	sld [smem:$0x3FAF];
	_ =	sdelay $0x3  }
0x36: {  	p1 =	seq.s32 s10, $0x1;
	s10 =	sld [smem:$0x3FB0];
	_ =	sdelay $0x3  }
0x37: {  	[smem:$0x3FB0] =	sst s10  }
0x38: {  	s10 =	sld [smem:$0x3FB1]  }
0x39: {  	_ = 	snop;
	(pc) =	sbr.ind lr, $3  }
0x3a: {  	_ = 	snop  }
0x3b: {  	_ = 	snop  }
0x3c: {  	p2 =	seq.s32 s10, $0x1;
	s10 =	sld [smem:$0x3FB0]  }
0x3d: {  	_ =	shalt  }
0x3e: {  	_ =	shalt  }
0x3f: {  	_ =	shalt  }
0x40: {  	_ =	shalt  }
0x41: {  	_ =	shalt  }
0x42: {  	_ =	shalt  }
0x43: {  	_ =	shalt  }
0x44: {  	_ =	shalt  }
0x45: {  	_ =	shalt  }
0x46: {  	_ =	shalt  }
0x47: {  	_ =	shalt  }
0x48: {  	_ =	shalt  }
0x49: {  	_ =	shalt  }
0x4a: {  	_ =	shalt  }
0x4b: {  	_ =	shalt  }
0x4c: {  	_ =	shalt  }
0x4d: {  	_ =	shalt  }
0x4e: {  	_ =	shalt  }
0x4f: {  	_ =	shalt  }
0x50: {  	_ =	shalt  }
0x51: {  	_ =	shalt  }
0x52: {  	_ =	shalt  }
0x53: {  	_ =	shalt  }
0x54: {  	_ =	shalt  }
0x55: {  	_ =	shalt  }
0x56: {  	_ =	shalt  }
0x57: {  	_ =	shalt  }
0x58: {  	_ =	shalt  }
0x59: {  	_ =	shalt  }
0x5a: {  	_ =	shalt  }
0x5b: {  	_ =	shalt  }
0x5c: {  	_ =	shalt  }
0x5d: {  	_ =	shalt  }
0x5e: {  	_ =	shalt  }
0x5f: {  	_ =	shalt  }
0x60: {  	_ =	shalt  }
0x61: {  	_ =	shalt  }
0x62: {  	_ =	shalt  }
0x63: {  	_ =	shalt  }
0x64: {  	_ =	shalt  }
0x65: {  	_ =	shalt  }
0x66: {  	_ =	shalt  }
0x67: {  	_ =	shalt  }
0x68: {  	_ =	shalt  }
0x69: {  	_ =	shalt  }
0x6a: {  	_ =	shalt  }
0x6b: {  	_ =	shalt  }
0x6c: {  	_ =	shalt  }
0x6d: {  	_ =	shalt  }
0x6e: {  	_ =	shalt  }
0x6f: {  	_ =	shalt  }
0x70: {  	_ =	shalt  }
0x71: {  	_ =	shalt  }
0x72: {  	_ =	shalt  }
0x73: {  	_ =	shalt  }
0x74: {  	_ =	shalt  }
0x75: {  	_ =	shalt  }
0x76: {  	_ =	shalt  }
0x77: {  	_ =	shalt  }
0x78: {  	_ =	shalt  }
0x79: {  	_ =	shalt  }
0x7a: {  	_ =	shalt  }
0x7b: {  	_ =	shalt  }
0x7c: {  	_ =	shalt  }
0x7d: {  	_ =	shalt  }
0x7e: {  	_ =	shalt  }
0x7f: {  	_ =	shalt  }
0x80: {  	_ =	shalt  }
0x81: {  	_ =	shalt  }
0x82: {  	_ =	shalt  }
0x83: {  	_ =	shalt  }
0x84: {  	_ =	shalt  }
0x85: {  	_ =	shalt  }
0x86: {  	_ =	shalt  }
0x87: {  	_ =	shalt  }
.Lfunc_end0:
.L_simem_size_0:
called_computation.1_lowered:
.L_overlay_start_0:
0x88: {  	s2 =	sld [smem:$0x3FD9]  }
0x89: {  	s3 =	sld [smem:$0x3FFE];
	_ =	sdelay $0x1  }
0x8a: {  	s1 =	srdreg.scid  }
0x8b: {  	s0 =	sand.u32 $0x1, s1  }
0x8c: {  	s16 =	sshll.u32 s0, $0xA;
	s2 =	sadd.s32 s3, s2  }
0x8d: {  	s2 =	sadd.s32 s2, s16  }
0x8e: {  	[smem:$0x3FBC] =	sst s2  }
0x8f: {  	_ = 	snop  }
0x90: {  	(tm) =	ssettm $0x1  }
0x91: {  	s17 =	sld [smem:$0x3FFB];
	_ =	sdelay $0x3  }
0x92: {  	_ =	strace s17  }
0x93: {  	s2 =	sld [smem:$0x3FFC];
	_ =	sdelay $0x3  }
0x94: {  	_ =	strace s2  }
0x95: {  	s2 =	sld [smem:$0x3FFD];
	_ =	sdelay $0x3  }
0x96: {  	_ =	strace s2  }
0x97: {  	_ =	strace $0x8FFFFFFF  }
0x98: {  	s18 =	sld [smem:$0x3FDB];
	_ =	sdelay $0x1  }
0x99: {  	s19 =	simm.s32 $_scs_section_size  }
0x9a: {  	s4 =	simm.s32 $_size__tile_overlayer_lowered;
	s5 =	simm.s32 $_tile_overlayer_lowered  }
0x9b: {  	s22 =	simm.s32 $0x1BFF;
	s21 =	sshll.u32 s5, $0x1;
	s2 =	sadd.s32 s19, s18  }
0x9c: {  	s6 =	simm.s32 $0x0;
	s20 =	sshll.u32 s4, $0x1;
	s4 =	sadd.s32 s21, s2  }
0x9d: {  	[timem:s6], [sflag:s22] =	dma.local [hbm:s4], s20  }
0x9e: {  	_ =	swait.ge [sflag:s22], s20  }
0x9f: {  	s3 =	ssub.s32 $0x0, s20;
	[sflag:s22] =	ssyncset.done $0x0  }
0xa0: {  	[sflag:s22] =	ssyncadd.s32 s3;
	_ =	sdelay $0x1  }
0xa1: {  	s23 =	simm.s32 $0x1B8B  }
0xa2: {  	_ =	swait.ge [sflag:s23], $0x1  }
0xa3: {  	[sflag:s23] =	ssyncset.done $0x0  }
0xa4: {  	s25 =	simm.s32 $0x1B8E;
	s24 =	sld [smem:$0x3FFE];
	[sflag:s23] =	ssyncadd.s32 $0xFFFFFFFF  }
0xa5: {  	s26 =	simm.s32 $execute0_lowered;
	[smem:$0x3FD2] =	sst s25  }
0xa6: {  	s4 =	sshll.u32 s26, $0x1;
	_ =	strace $0x80000049;
	[dreg:$0x1] =	wrdreg $0xFFFFFFFF  }
0xa7: {  	s28 =	simm.s32 $_size_execute0_lowered;
	s2 =	sadd.s32 s2, s4;
	[dreg:$0x0] =	wrdreg $0x0  }
0xa8: {  	s4 =	sshll.u32 s28, $0x1;
	[dreg:$0x2] =	wrdreg s2  }
0xa9: {  	[dreg:$0x3] =	wrdreg s4  }
0xaa: {  	[dreg:$0x4] =	wrdreg $0xC0  }
0xab: {  	_ =	task [dreg:s6], $0x5FFFF  }
0xac: {  	[dreg:$0x1] =	wrdreg $0xFFFFFFFF  }
0xad: {  	[dreg:$0x0] =	wrdreg $0x60  }
0xae: {  	[dreg:$0x2] =	wrdreg s24  }
0xaf: {  	[dreg:$0x3] =	wrdreg $0x0  }
0xb0: {  	[dreg:$0x4] =	wrdreg $0x9  }
0xb1: {  	_ =	task.clear_ibuf [dreg:s6], $0x5FFFF;
	_ =	strace $0x90000049  }
0xb2: {  	s29 =	simm.s32 $0x9;
	_ =	strace $0x8000004B  }
0xb3: {  	_ =	swait.ge [sflag:s29], $0x1  }
0xb4: {  	[sflag:s29] =	ssyncadd.s32 $0xFFFFFFFF  }
0xb5: {  	_ =	strace $0x9000004B  }
0xb6: {  	_ =	sfence  }
0xb7: {  	s30 =	sld [smem:$0x0];
	_ =	sdelay $0x2  }
0xb8: {  	s31 =	sshll.u32 s1, $0xD;
	s1 =	sshrl.u32 s1, $0x2  }
0xb9: {  	s3 =	sand.u32 $0x4000, s31;
	s1 =	sadd.s32 s1, s30  }
0xba: {  	s0 =	sor.u32 s3, s0;
	s1 =	sshll.u32 s1, $0x11  }
0xbb: {  	s0 =	sor.u32 s1, s0  }
0xbc: {  	s0 =	sadd.s32 $0x8F2B, s0  }
0xbd: {  	[sflag:s0] =	ssyncadd.remote.s32 $0x1  }
0xbe: {  	_ =	sfence.sel $0xFFFF  }
0xbf: {  	[dreg:$0x0] =	wrdreg $0xFFFFFFFF;
	(pc) =	sbr.abs _section_cstart, $3  }
0xc0: {  	[dreg:$0x1] =	wrdreg $0xFFFFFFFF  }
0xc1: {  	_ =	task.clear_ibuf [dreg:s6], $0x2FFFF;
	_ =	strace $0x9FFFFFFF  }
0xc2: {  	(tm) =	ssettm $0x7FFFFFFF  }
0xc3: {  	_ =	shalt  }
tec
execute0_lowered:
.L_overlay_start_1:
0x0: {  	(tag) =	ssettag $0x1  }
0x1: {  	s7 =	rddreg [dreg:$0x0]  }
0x2: {  	s2 =	rddreg [dreg:$0x1]  }
0x3: {  	s0 =	srdreg.scid;
	s1 =	rddreg [dreg:$0x2]  }
0x4: {  	s3 =	simm.s32 $0x0;
	s19 =	simm.s32 $0x14100;
	s6 =	sand.u32 $0x1, s0  }
0x5: {  	s20 =	simm.s32 $0x2;
	s0 =	stileid.u32;
	s4 =	smul.u32 $0x27800, s6  }
0x6: {  	s21 =	simm.s32 $0x14000;
	s22 =	simm.s32 $0x14080;
	s5 =	smul.u32 $0x2780, s0  }
0x7: {  	s23 =	simm.s32 $0x80;
	s24 =	simm.s32 $0x1;
	s8 =	smul.u32 $0x280, s0  }
0x8: {  	s25 =	simm.s32 $0x0;
	[smem:$0x7FF] =	sst s3;
	s9 =	smul.u32 $0x2800, s6  }
0x9: {  	_ =	strace $0x8000004A;
	s10 =	smul.u32 $0x50000, s0;
	s29 =	ssub.s32 $0x2, s6  }
0xa: {  	s31 =	sshrl.u32 s29, $0x1;
	s4 =	sadd.s32 s5, s4;
	s8 =	sadd.s32 s8, s9  }
0xb: {  	s30 =	sshrl.u32 s10, $0x2;
	s16 =	ssub.s32 s29, s31;
	s5 =	sshrl.u32 s4, $0x3  }
0xc: {  	s4 =	sadd.s32 $0x18400, s7;
	s8 =	sshll.u32 s8, $0x4;
	s6 =	sadd.s32 s30, s2  }
0xd: {  	s16 =	smax.u32 s16, $0x1;
	s18 =	sadd.s32 s5, s7;
	s5 =	sadd.s32 $0x17C00, s7  }
0xe: {  	s15 =	sadd.s32 s8, s7;
	s7 =	sadd.s32 $0x4000, s6;
	s8 =	sadd.s32 $0x8000, s6  }
0xf: {  	s9 =	sadd.s32 $0xC000, s6;
	s10 =	sadd.s32 $0x10000, s6;
	s11 =	sadd.s32 $0x7C000, s15  }
0x10: {  	s12 =	sadd.s32 $0x7C800, s15;
	s13 =	sadd.s32 $0x7D000, s15;
	s14 =	sadd.s32 $0x7D800, s15  }
0x11: {  	s15 =	sadd.s32 $0x7E000, s15;
	s17 =	sadd.s32 $0x72200, s18;
	s18 =	sadd.s32 $0x68400, s18  }
.LBB2_1:
0x12: {  	[tilespmem:s19], [sflag:$0x2] =	stream.linear.gather [hbm4b:s5+s3], $0x4000, $0x38;
	[tilespmem:$0x18100] =	vst v63  }
0x13: {  	_ =	swait.ge [sflag:s20], $0x4000  }
0x14: {  	[sflag:s20] =	ssyncset.done $0x0  }
0x15: {  	[sflag:s20] =	ssyncadd.s32 $0xFFFFC000  }
0x16: {  	[spmem:s6] =	stream.linear.scatter [tilespmem:s19], [sflag:$0x2], $0x4000, $0x38;
	[tilespmem:$0x18100] =	vst v63  }
0x17: {  	_ =	swait.ge [sflag:s20], $0x4000  }
0x18: {  	[sflag:s20] =	ssyncset.done $0x0  }
0x19: {  	[sflag:s20] =	ssyncadd.s32 $0xFFFFC000  }
0x1a: {  	[spmem:s7] =	stream.linear.scatter [tilespmem:s19], [sflag:$0x2], $0x4000, $0x38;
	[tilespmem:$0x18100] =	vst v63  }
0x1b: {  	_ =	swait.ge [sflag:s20], $0x4000  }
0x1c: {  	[sflag:s20] =	ssyncset.done $0x0  }
0x1d: {  	[sflag:s20] =	ssyncadd.s32 $0xFFFFC000  }
0x1e: {  	[spmem:s8] =	stream.linear.scatter [tilespmem:s19], [sflag:$0x2], $0x4000, $0x38;
	[tilespmem:$0x18100] =	vst v63  }
0x1f: {  	_ =	swait.ge [sflag:s20], $0x4000  }
0x20: {  	[sflag:s20] =	ssyncset.done $0x0  }
0x21: {  	[sflag:s20] =	ssyncadd.s32 $0xFFFFC000  }
0x22: {  	[spmem:s9] =	stream.linear.scatter [tilespmem:s19], [sflag:$0x2], $0x4000, $0x38;
	[tilespmem:$0x18100] =	vst v63  }
0x23: {  	_ =	swait.ge [sflag:s20], $0x4000  }
0x24: {  	[sflag:s20] =	ssyncset.done $0x0  }
0x25: {  	[sflag:s20] =	ssyncadd.s32 $0xFFFFC000  }
0x26: {  	[spmem:s10] =	stream.linear.scatter [tilespmem:s19], [sflag:$0x2], $0x4000, $0x38;
	[tilespmem:$0x18100] =	vst v63  }
0x27: {  	_ =	swait.ge [sflag:s20], $0x4000  }
0x28: {  	[sflag:s20] =	ssyncset.done $0x0  }
0x29: {  	[sflag:s20] =	ssyncadd.s32 $0xFFFFC000  }
0x2a: {  	s26 =	sadd.s32 $0x0, s18;
	[bflag:$0x0] =	sbarrier.arrive $0xFFFF  }
0x2b: {  	[tilespmem:s21], [sflag:$0x2] =	stream.linear.gather [hbm4b:s26+s3], $0x80, $0x38;
	[tilespmem:$0x18100] =	vst v63  }
0x2c: {  	_ =	swait.ge [sflag:s20], $0x80  }
0x2d: {  	[sflag:s20] =	ssyncset.done $0x0  }
0x2e: {  	s31 =	sadd.s32 $0x0, s17;
	[sflag:s20] =	ssyncadd.s32 $0xFFFFFF80  }
0x2f: {  	[tilespmem:s22], [sflag:$0x2] =	stream.linear.gather [hbm4b:s31+s3], $0x80, $0x38;
	[tilespmem:$0x18100] =	vst v63  }
0x30: {  	_ =	swait.ge [sflag:s20], $0x80  }
0x31: {  	[sflag:s20] =	ssyncset.done $0x0  }
0x32: {  	[sflag:s20] =	ssyncadd.s32 $0xFFFFFF80  }
0x33: {  	[tilespmem:s19], [sflag:$0x1] =	stream.indirect.gather [hbm4b:s4+s23], $0x80, s21, s23, $0xb8;
	[tilespmem:$0x18100] =	vst v63  }
0x34: {  	_ =	swait.ge [sflag:s24], $0x4000  }
0x35: {  	[sflag:s24] =	ssyncset.done $0x0  }
0x36: {  	[sflag:s24] =	ssyncadd.s32 $0xFFFFC000  }
0x37: {  	[spmem:s2] =	stream.indirect.scatter.add.f32 [tilespmem:s19], [sflag:$0x2], $0x80, s22, s23, $0xb8;
	[tilespmem:$0x18100] =	vst v63  }
0x38: {  	_ =	swait.ge [sflag:s20], $0x4000  }
0x39: {  	s28 =	simm.s32 $0x20;
	s26 =	simm.s32 $0x10;
	[sflag:s20] =	ssyncset.done $0x0  }
.LBB2_2:
0x3a: {  	s29 =	sadd.s32 s26, s18  }
0x3b: {  	[sflag:s20] =	ssyncadd.s32 $0xFFFFC000;
	s30 =	smov.u32 s28;
	s31 =	sadd.s32 $0x10, s28  }
0x3c: {  	[tilespmem:s21], [sflag:$0x2] =	stream.linear.gather [hbm4b:s29+s3], $0x80, $0x38;
	[tilespmem:$0x18100] =	vst v63  }
0x3d: {  	p0 =	sne.s32 s28, $0x4E0;
	_ =	swait.ge [sflag:s20], $0x80  }
0x3e: {  	[sflag:s20] =	ssyncset.done $0x0  }
0x3f: {  	s28 =	sadd.s32 s26, s17;
	s26 =	smov.u32 s30;
	[sflag:s20] =	ssyncadd.s32 $0xFFFFFF80  }
0x40: {  	[tilespmem:s22], [sflag:$0x2] =	stream.linear.gather [hbm4b:s28+s3], $0x80, $0x38;
	[tilespmem:$0x18100] =	vst v63  }
0x41: {  	_ =	swait.ge [sflag:s20], $0x80  }
0x42: {  	[sflag:s20] =	ssyncset.done $0x0  }
0x43: {  	[sflag:s20] =	ssyncadd.s32 $0xFFFFFF80  }
0x44: {  	[tilespmem:s19], [sflag:$0x1] =	stream.indirect.gather [hbm4b:s4+s23], $0x80, s21, s23, $0xb8;
	[tilespmem:$0x18100] =	vst v63  }
0x45: {  	_ =	swait.ge [sflag:s24], $0x4000  }
.Ltmp0:
0x46: {  	[sflag:s24] =	ssyncset.done $0x0;
	(pc) =	sbr.rel @p0 .LBB2_2-.Ltmp0, $4  }
0x47: {  	[sflag:s24] =	ssyncadd.s32 $0xFFFFC000  }
0x48: {  	[spmem:s2] =	stream.indirect.scatter.add.f32 [tilespmem:s19], [sflag:$0x2], $0x80, s22, s23, $0xb8;
	[tilespmem:$0x18100] =	vst v63  }
0x49: {  	_ =	swait.ge [sflag:s20], $0x4000  }
0x4a: {  	s28 =	smov.u32 s31;
	[sflag:s20] =	ssyncset.done $0x0  }
0x4b: {  	s28 =	sadd.s32 s26, s18;
	[sflag:s20] =	ssyncadd.s32 $0xFFFFC000  }
0x4c: {  	[tilespmem:s21], [sflag:$0x2] =	stream.linear.gather [hbm4b:s28+s3], $0x80, $0x38;
	[tilespmem:$0x18100] =	vst v63  }
0x4d: {  	_ =	swait.ge [sflag:s20], $0x80  }
0x4e: {  	[sflag:s20] =	ssyncset.done $0x0  }
0x4f: {  	s31 =	sadd.s32 s26, s17;
	[sflag:s20] =	ssyncadd.s32 $0xFFFFFF80  }
0x50: {  	[tilespmem:s22], [sflag:$0x2] =	stream.linear.gather [hbm4b:s31+s3], $0x80, $0x38;
	[tilespmem:$0x18100] =	vst v63  }
0x51: {  	_ =	swait.ge [sflag:s20], $0x80  }
0x52: {  	[sflag:s20] =	ssyncset.done $0x0  }
0x53: {  	[sflag:s20] =	ssyncadd.s32 $0xFFFFFF80  }
0x54: {  	[tilespmem:s19], [sflag:$0x1] =	stream.indirect.gather [hbm4b:s4+s23], $0x80, s21, s23, $0xb8;
	[tilespmem:$0x18100] =	vst v63  }
0x55: {  	_ =	swait.ge [sflag:s24], $0x4000  }
0x56: {  	[sflag:s24] =	ssyncset.done $0x0  }
0x57: {  	[sflag:s24] =	ssyncadd.s32 $0xFFFFC000  }
0x58: {  	[spmem:s2] =	stream.indirect.scatter.add.f32 [tilespmem:s19], [sflag:$0x2], $0x80, s22, s23, $0xb8;
	[tilespmem:$0x18100] =	vst v63  }
0x59: {  	_ =	swait.ge [sflag:s20], $0x4000  }
0x5a: {  	[sflag:s20] =	ssyncset.done $0x0  }
0x5b: {  	[sflag:s20] =	ssyncadd.s32 $0xFFFFC000  }
0x5c: {  	[bflag:$0x0] =	sbarrier.arrive $0xFFFF  }
0x5d: {  	[tilespmem:s19], [sflag:$0x2] =	stream.linear.gather [spmem:s6], $0x4000, $0x38;
	[tilespmem:$0x18100] =	vst v63  }
0x5e: {  	_ =	swait.ge [sflag:s20], $0x4000  }
0x5f: {  	[sflag:s20] =	ssyncset.done $0x0  }
0x60: {  	[sflag:s20] =	ssyncadd.s32 $0xFFFFC000  }
0x61: {  	[hbm4b:s11+s3] =	stream.linear.scatter [tilespmem:s19], [sflag:$0x2], $0x4000, $0x38;
	[tilespmem:$0x18100] =	vst v63  }
0x62: {  	_ =	swait.ge [sflag:s20], $0x4000  }
0x63: {  	[sflag:s20] =	ssyncset.done $0x0  }
0x64: {  	[sflag:s20] =	ssyncadd.s32 $0xFFFFC000  }
0x65: {  	[tilespmem:s19], [sflag:$0x2] =	stream.linear.gather [spmem:s7], $0x4000, $0x38;
	[tilespmem:$0x18100] =	vst v63  }
0x66: {  	_ =	swait.ge [sflag:s20], $0x4000  }
0x67: {  	[sflag:s20] =	ssyncset.done $0x0  }
0x68: {  	[sflag:s20] =	ssyncadd.s32 $0xFFFFC000  }
0x69: {  	[hbm4b:s12+s3] =	stream.linear.scatter [tilespmem:s19], [sflag:$0x2], $0x4000, $0x38;
	[tilespmem:$0x18100] =	vst v63  }
0x6a: {  	_ =	swait.ge [sflag:s20], $0x4000  }
0x6b: {  	[sflag:s20] =	ssyncset.done $0x0  }
0x6c: {  	[sflag:s20] =	ssyncadd.s32 $0xFFFFC000  }
0x6d: {  	[tilespmem:s19], [sflag:$0x2] =	stream.linear.gather [spmem:s8], $0x4000, $0x38;
	[tilespmem:$0x18100] =	vst v63  }
0x6e: {  	_ =	swait.ge [sflag:s20], $0x4000  }
0x6f: {  	[sflag:s20] =	ssyncset.done $0x0  }
0x70: {  	[sflag:s20] =	ssyncadd.s32 $0xFFFFC000  }
0x71: {  	[hbm4b:s13+s3] =	stream.linear.scatter [tilespmem:s19], [sflag:$0x2], $0x4000, $0x38;
	[tilespmem:$0x18100] =	vst v63  }
0x72: {  	_ =	swait.ge [sflag:s20], $0x4000  }
0x73: {  	[sflag:s20] =	ssyncset.done $0x0  }
0x74: {  	[sflag:s20] =	ssyncadd.s32 $0xFFFFC000  }
0x75: {  	[tilespmem:s19], [sflag:$0x2] =	stream.linear.gather [spmem:s9], $0x4000, $0x38;
	[tilespmem:$0x18100] =	vst v63  }
0x76: {  	_ =	swait.ge [sflag:s20], $0x4000  }
0x77: {  	[sflag:s20] =	ssyncset.done $0x0  }
0x78: {  	[sflag:s20] =	ssyncadd.s32 $0xFFFFC000  }
0x79: {  	[hbm4b:s14+s3] =	stream.linear.scatter [tilespmem:s19], [sflag:$0x2], $0x4000, $0x38;
	[tilespmem:$0x18100] =	vst v63  }
0x7a: {  	_ =	swait.ge [sflag:s20], $0x4000  }
0x7b: {  	[sflag:s20] =	ssyncset.done $0x0  }
0x7c: {  	[sflag:s20] =	ssyncadd.s32 $0xFFFFC000  }
0x7d: {  	[tilespmem:s19], [sflag:$0x2] =	stream.linear.gather [spmem:s10], $0x4000, $0x38;
	[tilespmem:$0x18100] =	vst v63  }
0x7e: {  	s25 =	sadd.s32 $0x1, s25;
	_ =	swait.ge [sflag:s20], $0x4000  }
0x7f: {  	p0 =	sne.s32 s25, s16;
	[sflag:s20] =	ssyncset.done $0x0  }
.Ltmp1:
0x80: {  	[sflag:s20] =	ssyncadd.s32 $0xFFFFC000;
	(pc) =	sbr.rel @p0 .LBB2_1-.Ltmp1, $4  }
0x81: {  	[hbm4b:s15+s3] =	stream.linear.scatter [tilespmem:s19], [sflag:$0x2], $0x4000, $0x38;
	[tilespmem:$0x18100] =	vst v63  }
0x82: {  	_ =	swait.ge [sflag:s20], $0x4000  }
0x83: {  	[sflag:s20] =	ssyncset.done $0x0  }
0x84: {  	[sflag:s20] =	ssyncadd.s32 $0xFFFFC000  }
0x85: {  	_ =	sfence.sel $0x180000  }
0x86: {  	[bflag:$0x0] =	sbarrier.arrive $0xFFFF  }
0x87: {  	p0 =	sne.s32 s0, $0x0;
	_ =	strace $0x9000004A  }
0x88: {  	s0 =	sadd.s32 @!p0 $0x100000, s1;
	[bflag:$0x2] =	sbarrier.arrive $0xFFFF  }
0x89: {  	[sflag:s0] =	ssyncadd.tile.s32 @!p0 $0x1;
	_ =	shalt  }
.Lfunc_end2:
_tile_overlayer_lowered:
.L_overlay_start_2:
0x8a: {  	(tag) =	ssettag $0x2  }
0x8b: {  	s0 =	rddreg [dreg:$0x0];
	s2 =	stileid.u32  }
0x8c: {  	s1 =	rddreg [dreg:$0x1];
	p0 =	sne.s32 s2, $0x0  }
0x8d: {  	s3 =	rddreg [dreg:$0x2];
	[bflag:$0x3] =	sbarrier.arrive $0xFFFF;
	s2 =	simm.s32 @!p0 $0x1C02  }
0x8e: {  	[timem:s3], [sflag:s2] =	dma.local @!p0 [hbm:s0], s1  }
0x8f: {  	s0 =	simm.s32 @!p0 $0x2  }
0x90: {  	_ =	swait.ge @!p0 [sflag:s0], s1  }
0x91: {  	s1 =	ssub.s32 @!p0 $0x0, s1;
	[sflag:s0] =	ssyncset.done @!p0 $0x0  }
0x92: {  	[sflag:s0] =	ssyncadd.s32 @!p0 s1  }
0x93: {  	[bflag:$0x3] =	sbarrier.arrive $0xFFFF  }
0x94: {  	_ =	shalt  }

// kernel: kernel.14.cloned.1.call-start
scs
__scs_entry_jumppad:
0x0: {  	(pc) =	sbr.rel $0x88, $3  }
0x1: {  	(tag) =	ssettag $0x0;
	lr =	simm.s32 $0x1  }
0x2: {  	[smem:$0x3F95] =	sst lr;
	_ =	strace $0xD0000000  }
0x3: {  	_ = 	snop  }
0x4: {  	_ = 	snop  }
0x5: {  	_ = 	snop  }
0x6: {  	_ = 	snop  }
0x7: {  	_ = 	snop  }
__scs_overlays_trampoline_lowered:
0x8: {  	[smem:$0x3FA4] =	sst s0  }
0x9: {  	[smem:$0x3FA5] =	sst s1  }
0xa: {  	[smem:$0x3FA6] =	sst s2  }
0xb: {  	[smem:$0x3FA7] =	sst s3  }
0xc: {  	[smem:$0x3FA8] =	sst s4  }
0xd: {  	[smem:$0x3FA9] =	sst s5  }
0xe: {  	[smem:$0x3FAA] =	sst s6  }
0xf: {  	[smem:$0x3FAB] =	sst s7  }
0x10: {  	[smem:$0x3FAC] =	sst s8  }
0x11: {  	[smem:$0x3FAD] =	sst s9;
	s0 =	simm.s32 @!p0 $0x0  }
0x12: {  	s1 =	sld [smem:$0x3F93];
	s0 =	simm.s32 @p0 $0x1  }
0x13: {  	[smem:$0x3FAE] =	sst s0;
	s0 =	simm.s32 @!p1 $0x0  }
0x14: {  	s2 =	sld [smem:$0x3F92];
	s0 =	simm.s32 @p1 $0x1  }
0x15: {  	[smem:$0x3FAF] =	sst s0;
	s0 =	simm.s32 @!p2 $0x0  }
0x16: {  	s3 =	sld [smem:$0x3FDB];
	s0 =	simm.s32 @p2 $0x1  }
0x17: {  	s4 =	simm.s32 $0x1BF5;
	[smem:$0x3FB1] =	sst s0  }
0x18: {  	s0 =	sld [smem:$0x3F94];
	_ =	swait.ge [sflag:s4], $0x0  }
0x19: {  	s7 =	sld [smem:$0x3F95]  }
0x1a: {  	s8 =	sadd.s32 $0xFFFFE003, lr  }
0x1b: {  	s9 =	sadd.s32 $0xFFFFFEF7, lr;
	s5 =	simm.s32 $0xFFFFFFFF;
	p2 =	slt.u32 s8, $0xFFFFF086  }
0x1c: {  	p1 =	slt.u32 s9, $0xF7A;
	s5 =	simm.s32 @!p2 $0x0  }
0x1d: {  	s5 =	simm.s32 @p1 $0x1;
	p0 =	seq.s32 s7, s2  }
0x1e: {  	s7 =	smul.u32 @!p0 $0xF7A, s2;
	p2 =	seq.s32 @!p0 s5, $0x0  }
0x1f: {  	s9 =	smul.u32 $0xF7A, s1;
	s8 =	simm.s32 @!p0 $0x1BF5;
	p2 =	por !p2, p0  }
0x20: {  	[sflag:s8] =	ssyncset.s32 @!p0 $0xFFFFF086;
	s6 =	sadd.s32 @!p0 s3, s7;
	s7 =	simm.s32 @!p0 $0x108  }
0x21: {  	s3 =	sadd.s32 s3, s9;
	s6 =	sadd.s32 @!p0 $0x88, s6;
	s7 =	simm.s32 @p2 $0x1082  }
0x22: {  	[simem:s7], [sflag:s8] =	dma.local @!p0 [hbm:s6], $0xF7A  }
0x23: {  	s9 =	sor.u32 $0xD0000000, s2;
	s6 =	simm.s32 $0x108;
	_ =	swait.ge @!p0 [sflag:s8], $0x0  }
0x24: {  	s3 =	sadd.s32 $0x88, s3;
	s6 =	simm.s32 @!p1 $0x1082;
	[sflag:s4] =	ssyncset.s32 $0xFFFFF086  }
0x25: {  	[simem:s6], [sflag:s4] =	dma.local [hbm:s3], $0xF7A  }
0x26: {  	[smem:$0x3F95] =	sst s1;
	(tag) =	ssettag s2;
	_ =	strace s9  }
0x27: {  	s1 =	sld [smem:$0x3FA5]  }
0x28: {  	s2 =	sld [smem:$0x3FA6]  }
0x29: {  	s4 =	sld [smem:$0x3FA8]  }
0x2a: {  	p0 =	seq.s32 s5, $0x0;
	s5 =	sld [smem:$0x3FA9]  }
0x2b: {  	s6 =	sld [smem:$0x3FAA]  }
0x2c: {  	s7 =	sld [smem:$0x3FAB]  }
0x2d: {  	s3 =	simm.s32 $0x108;
	s8 =	sld [smem:$0x3FAC]  }
0x2e: {  	s3 =	simm.s32 @!p0 $0x1082;
	s9 =	sld [smem:$0x3FAD]  }
0x2f: {  	lr =	sadd.s32 s0, s3;
	s0 =	sld [smem:$0x3FA4]  }
0x30: {  	s3 =	sld [smem:$0x3FA7]  }
0x31: {  	[smem:$0x3FB0] =	sst s10  }
0x32: {  	s10 =	sld [smem:$0x3FAE];
	_ =	sdelay $0x3  }
0x33: {  	p0 =	seq.s32 s10, $0x1;
	s10 =	sld [smem:$0x3FB0];
	_ =	sdelay $0x3  }
0x34: {  	[smem:$0x3FB0] =	sst s10  }
0x35: {  	s10 =	sld [smem:$0x3FAF];
	_ =	sdelay $0x3  }
0x36: {  	p1 =	seq.s32 s10, $0x1;
	s10 =	sld [smem:$0x3FB0];
	_ =	sdelay $0x3  }
0x37: {  	[smem:$0x3FB0] =	sst s10  }
0x38: {  	s10 =	sld [smem:$0x3FB1]  }
0x39: {  	_ = 	snop;
	(pc) =	sbr.ind lr, $3  }
0x3a: {  	_ = 	snop  }
0x3b: {  	_ = 	snop  }
0x3c: {  	p2 =	seq.s32 s10, $0x1;
	s10 =	sld [smem:$0x3FB0]  }
0x3d: {  	_ =	shalt  }
0x3e: {  	_ =	shalt  }
0x3f: {  	_ =	shalt  }
0x40: {  	_ =	shalt  }
0x41: {  	_ =	shalt  }
0x42: {  	_ =	shalt  }
0x43: {  	_ =	shalt  }
0x44: {  	_ =	shalt  }
0x45: {  	_ =	shalt  }
0x46: {  	_ =	shalt  }
0x47: {  	_ =	shalt  }
0x48: {  	_ =	shalt  }
0x49: {  	_ =	shalt  }
0x4a: {  	_ =	shalt  }
0x4b: {  	_ =	shalt  }
0x4c: {  	_ =	shalt  }
0x4d: {  	_ =	shalt  }
0x4e: {  	_ =	shalt  }
0x4f: {  	_ =	shalt  }
0x50: {  	_ =	shalt  }
0x51: {  	_ =	shalt  }
0x52: {  	_ =	shalt  }
0x53: {  	_ =	shalt  }
0x54: {  	_ =	shalt  }
0x55: {  	_ =	shalt  }
0x56: {  	_ =	shalt  }
0x57: {  	_ =	shalt  }
0x58: {  	_ =	shalt  }
0x59: {  	_ =	shalt  }
0x5a: {  	_ =	shalt  }
0x5b: {  	_ =	shalt  }
0x5c: {  	_ =	shalt  }
0x5d: {  	_ =	shalt  }
0x5e: {  	_ =	shalt  }
0x5f: {  	_ =	shalt  }
0x60: {  	_ =	shalt  }
0x61: {  	_ =	shalt  }
0x62: {  	_ =	shalt  }
0x63: {  	_ =	shalt  }
0x64: {  	_ =	shalt  }
0x65: {  	_ =	shalt  }
0x66: {  	_ =	shalt  }
0x67: {  	_ =	shalt  }
0x68: {  	_ =	shalt  }
0x69: {  	_ =	shalt  }
0x6a: {  	_ =	shalt  }
0x6b: {  	_ =	shalt  }
0x6c: {  	_ =	shalt  }
0x6d: {  	_ =	shalt  }
0x6e: {  	_ =	shalt  }
0x6f: {  	_ =	shalt  }
0x70: {  	_ =	shalt  }
0x71: {  	_ =	shalt  }
0x72: {  	_ =	shalt  }
0x73: {  	_ =	shalt  }
0x74: {  	_ =	shalt  }
0x75: {  	_ =	shalt  }
0x76: {  	_ =	shalt  }
0x77: {  	_ =	shalt  }
0x78: {  	_ =	shalt  }
0x79: {  	_ =	shalt  }
0x7a: {  	_ =	shalt  }
0x7b: {  	_ =	shalt  }
0x7c: {  	_ =	shalt  }
0x7d: {  	_ =	shalt  }
0x7e: {  	_ =	shalt  }
0x7f: {  	_ =	shalt  }
0x80: {  	_ =	shalt  }
0x81: {  	_ =	shalt  }
0x82: {  	_ =	shalt  }
0x83: {  	_ =	shalt  }
0x84: {  	_ =	shalt  }
0x85: {  	_ =	shalt  }
0x86: {  	_ =	shalt  }
0x87: {  	_ =	shalt  }
.Lfunc_end0:
.L_simem_size_0:
called_computation.2_lowered:
.L_overlay_start_0:
0x88: {  	s2 =	sld [smem:$0x3FD9]  }
0x89: {  	s3 =	sld [smem:$0x3FFE];
	_ =	sdelay $0x1  }
0x8a: {  	s1 =	srdreg.scid  }
0x8b: {  	s0 =	sand.u32 $0x1, s1  }
0x8c: {  	s16 =	sshll.u32 s0, $0xA;
	s2 =	sadd.s32 s3, s2  }
0x8d: {  	s2 =	sadd.s32 s2, s16  }
0x8e: {  	[smem:$0x3FBC] =	sst s2  }
0x8f: {  	_ = 	snop  }
0x90: {  	(tm) =	ssettm $0x1  }
0x91: {  	s17 =	sld [smem:$0x3FFB];
	_ =	sdelay $0x3  }
0x92: {  	_ =	strace s17  }
0x93: {  	s2 =	sld [smem:$0x3FFC];
	_ =	sdelay $0x3  }
0x94: {  	_ =	strace s2  }
0x95: {  	s2 =	sld [smem:$0x3FFD];
	_ =	sdelay $0x3  }
0x96: {  	_ =	strace s2  }
0x97: {  	_ =	strace $0x8FFFFFFF  }
0x98: {  	s18 =	sld [smem:$0x3FDB];
	_ =	sdelay $0x1  }
0x99: {  	s19 =	simm.s32 $_scs_section_size  }
0x9a: {  	s4 =	simm.s32 $_size__tile_overlayer_lowered;
	s5 =	simm.s32 $_tile_overlayer_lowered  }
0x9b: {  	s22 =	simm.s32 $0x1BFF;
	s21 =	sshll.u32 s5, $0x1;
	s2 =	sadd.s32 s19, s18  }
0x9c: {  	s6 =	simm.s32 $0x0;
	s20 =	sshll.u32 s4, $0x1;
	s4 =	sadd.s32 s21, s2  }
0x9d: {  	[timem:s6], [sflag:s22] =	dma.local [hbm:s4], s20  }
0x9e: {  	_ =	swait.ge [sflag:s22], s20  }
0x9f: {  	s3 =	ssub.s32 $0x0, s20;
	[sflag:s22] =	ssyncset.done $0x0  }
0xa0: {  	[sflag:s22] =	ssyncadd.s32 s3;
	_ =	sdelay $0x1  }
0xa1: {  	s23 =	simm.s32 $0x1B8B  }
0xa2: {  	_ =	swait.ge [sflag:s23], $0x1  }
0xa3: {  	[sflag:s23] =	ssyncset.done $0x0  }
0xa4: {  	s25 =	simm.s32 $0x1B8E;
	s24 =	sld [smem:$0x3FFE];
	[sflag:s23] =	ssyncadd.s32 $0xFFFFFFFF  }
0xa5: {  	s26 =	simm.s32 $execute0_lowered;
	[smem:$0x3FD2] =	sst s25  }
0xa6: {  	s4 =	sshll.u32 s26, $0x1;
	_ =	strace $0x8000004C;
	[dreg:$0x1] =	wrdreg $0xFFFFFFFF  }
0xa7: {  	s28 =	simm.s32 $_size_execute0_lowered;
	s2 =	sadd.s32 s2, s4;
	[dreg:$0x0] =	wrdreg $0x0  }
0xa8: {  	s4 =	sshll.u32 s28, $0x1;
	[dreg:$0x2] =	wrdreg s2  }
0xa9: {  	[dreg:$0x3] =	wrdreg s4  }
0xaa: {  	[dreg:$0x4] =	wrdreg $0xC0  }
0xab: {  	_ =	task [dreg:s6], $0x5FFFF  }
0xac: {  	[dreg:$0x1] =	wrdreg $0xFFFFFFFF  }
0xad: {  	[dreg:$0x0] =	wrdreg $0x60  }
0xae: {  	[dreg:$0x2] =	wrdreg s24  }
0xaf: {  	[dreg:$0x3] =	wrdreg $0x0  }
0xb0: {  	[dreg:$0x4] =	wrdreg $0x9  }
0xb1: {  	_ =	task.clear_ibuf [dreg:s6], $0x5FFFF;
	_ =	strace $0x9000004C  }
0xb2: {  	s29 =	simm.s32 $0x9;
	_ =	strace $0x8000004E  }
0xb3: {  	_ =	swait.ge [sflag:s29], $0x1  }
0xb4: {  	[sflag:s29] =	ssyncadd.s32 $0xFFFFFFFF  }
0xb5: {  	_ =	strace $0x9000004E  }
0xb6: {  	_ =	sfence  }
0xb7: {  	s30 =	sld [smem:$0x0];
	_ =	sdelay $0x2  }
0xb8: {  	s31 =	sshll.u32 s1, $0xD;
	s1 =	sshrl.u32 s1, $0x2  }
0xb9: {  	s3 =	sand.u32 $0x4000, s31;
	s1 =	sadd.s32 s1, s30  }
0xba: {  	s0 =	sor.u32 s3, s0;
	s1 =	sshll.u32 s1, $0x11  }
0xbb: {  	s0 =	sor.u32 s1, s0  }
0xbc: {  	s0 =	sadd.s32 $0x8F2B, s0  }
0xbd: {  	[sflag:s0] =	ssyncadd.remote.s32 $0x1  }
0xbe: {  	_ =	sfence.sel $0xFFFF  }
0xbf: {  	[dreg:$0x0] =	wrdreg $0xFFFFFFFF;
	(pc) =	sbr.abs _section_cstart, $3  }
0xc0: {  	[dreg:$0x1] =	wrdreg $0xFFFFFFFF  }
0xc1: {  	_ =	task.clear_ibuf [dreg:s6], $0x2FFFF;
	_ =	strace $0x9FFFFFFF  }
0xc2: {  	(tm) =	ssettm $0x7FFFFFFF  }
0xc3: {  	_ =	shalt  }
tec
execute0_lowered:
.L_overlay_start_1:
0x0: {  	(tag) =	ssettag $0x1  }
0x1: {  	s7 =	rddreg [dreg:$0x0]  }
0x2: {  	s2 =	rddreg [dreg:$0x1]  }
0x3: {  	s0 =	srdreg.scid;
	s1 =	rddreg [dreg:$0x2]  }
0x4: {  	s3 =	simm.s32 $0x0;
	s19 =	simm.s32 $0x14100;
	s6 =	sand.u32 $0x1, s0  }
0x5: {  	s20 =	simm.s32 $0x2;
	s0 =	stileid.u32;
	s4 =	smul.u32 $0x27800, s6  }
0x6: {  	s21 =	simm.s32 $0x14000;
	s22 =	simm.s32 $0x14080;
	s5 =	smul.u32 $0x2780, s0  }
0x7: {  	s23 =	simm.s32 $0x80;
	s24 =	simm.s32 $0x1;
	s8 =	smul.u32 $0x280, s0  }
0x8: {  	s25 =	simm.s32 $0x0;
	[smem:$0x7FF] =	sst s3;
	s9 =	smul.u32 $0x2800, s6  }
0x9: {  	_ =	strace $0x8000004D;
	s10 =	smul.u32 $0x50000, s0;
	s29 =	ssub.s32 $0x2, s6  }
0xa: {  	s31 =	sshrl.u32 s29, $0x1;
	s4 =	sadd.s32 s5, s4;
	s8 =	sadd.s32 s8, s9  }
0xb: {  	s30 =	sshrl.u32 s10, $0x2;
	s16 =	ssub.s32 s29, s31;
	s5 =	sshrl.u32 s4, $0x3  }
0xc: {  	s4 =	sadd.s32 $0x18400, s7;
	s8 =	sshll.u32 s8, $0x4;
	s6 =	sadd.s32 s30, s2  }
0xd: {  	s16 =	smax.u32 s16, $0x1;
	s18 =	sadd.s32 s5, s7;
	s5 =	sadd.s32 $0x17C00, s7  }
0xe: {  	s15 =	sadd.s32 s8, s7;
	s7 =	sadd.s32 $0x4000, s6;
	s8 =	sadd.s32 $0x8000, s6  }
0xf: {  	s9 =	sadd.s32 $0xC000, s6;
	s10 =	sadd.s32 $0x10000, s6;
	s11 =	sadd.s32 $0xCC000, s15  }
0x10: {  	s12 =	sadd.s32 $0xCC800, s15;
	s13 =	sadd.s32 $0xCD000, s15;
	s14 =	sadd.s32 $0xCD800, s15  }
0x11: {  	s15 =	sadd.s32 $0xCE000, s15;
	s17 =	sadd.s32 $0x72200, s18;
	s18 =	sadd.s32 $0x68400, s18  }
.LBB2_1:
0x12: {  	[tilespmem:s19], [sflag:$0x2] =	stream.linear.gather [hbm4b:s5+s3], $0x4000, $0x38;
	[tilespmem:$0x18100] =	vst v63  }
0x13: {  	_ =	swait.ge [sflag:s20], $0x4000  }
0x14: {  	[sflag:s20] =	ssyncset.done $0x0  }
0x15: {  	[sflag:s20] =	ssyncadd.s32 $0xFFFFC000  }
0x16: {  	[spmem:s6] =	stream.linear.scatter [tilespmem:s19], [sflag:$0x2], $0x4000, $0x38;
	[tilespmem:$0x18100] =	vst v63  }
0x17: {  	_ =	swait.ge [sflag:s20], $0x4000  }
0x18: {  	[sflag:s20] =	ssyncset.done $0x0  }
0x19: {  	[sflag:s20] =	ssyncadd.s32 $0xFFFFC000  }
0x1a: {  	[spmem:s7] =	stream.linear.scatter [tilespmem:s19], [sflag:$0x2], $0x4000, $0x38;
	[tilespmem:$0x18100] =	vst v63  }
0x1b: {  	_ =	swait.ge [sflag:s20], $0x4000  }
0x1c: {  	[sflag:s20] =	ssyncset.done $0x0  }
0x1d: {  	[sflag:s20] =	ssyncadd.s32 $0xFFFFC000  }
0x1e: {  	[spmem:s8] =	stream.linear.scatter [tilespmem:s19], [sflag:$0x2], $0x4000, $0x38;
	[tilespmem:$0x18100] =	vst v63  }
0x1f: {  	_ =	swait.ge [sflag:s20], $0x4000  }
0x20: {  	[sflag:s20] =	ssyncset.done $0x0  }
0x21: {  	[sflag:s20] =	ssyncadd.s32 $0xFFFFC000  }
0x22: {  	[spmem:s9] =	stream.linear.scatter [tilespmem:s19], [sflag:$0x2], $0x4000, $0x38;
	[tilespmem:$0x18100] =	vst v63  }
0x23: {  	_ =	swait.ge [sflag:s20], $0x4000  }
0x24: {  	[sflag:s20] =	ssyncset.done $0x0  }
0x25: {  	[sflag:s20] =	ssyncadd.s32 $0xFFFFC000  }
0x26: {  	[spmem:s10] =	stream.linear.scatter [tilespmem:s19], [sflag:$0x2], $0x4000, $0x38;
	[tilespmem:$0x18100] =	vst v63  }
0x27: {  	_ =	swait.ge [sflag:s20], $0x4000  }
0x28: {  	[sflag:s20] =	ssyncset.done $0x0  }
0x29: {  	[sflag:s20] =	ssyncadd.s32 $0xFFFFC000  }
0x2a: {  	s26 =	sadd.s32 $0x0, s18;
	[bflag:$0x0] =	sbarrier.arrive $0xFFFF  }
0x2b: {  	[tilespmem:s21], [sflag:$0x2] =	stream.linear.gather [hbm4b:s26+s3], $0x80, $0x38;
	[tilespmem:$0x18100] =	vst v63  }
0x2c: {  	_ =	swait.ge [sflag:s20], $0x80  }
0x2d: {  	[sflag:s20] =	ssyncset.done $0x0  }
0x2e: {  	s31 =	sadd.s32 $0x0, s17;
	[sflag:s20] =	ssyncadd.s32 $0xFFFFFF80  }
0x2f: {  	[tilespmem:s22], [sflag:$0x2] =	stream.linear.gather [hbm4b:s31+s3], $0x80, $0x38;
	[tilespmem:$0x18100] =	vst v63  }
0x30: {  	_ =	swait.ge [sflag:s20], $0x80  }
0x31: {  	[sflag:s20] =	ssyncset.done $0x0  }
0x32: {  	[sflag:s20] =	ssyncadd.s32 $0xFFFFFF80  }
0x33: {  	[tilespmem:s19], [sflag:$0x1] =	stream.indirect.gather [hbm4b:s4+s23], $0x80, s21, s23, $0xb8;
	[tilespmem:$0x18100] =	vst v63  }
0x34: {  	_ =	swait.ge [sflag:s24], $0x4000  }
0x35: {  	[sflag:s24] =	ssyncset.done $0x0  }
0x36: {  	[sflag:s24] =	ssyncadd.s32 $0xFFFFC000  }
0x37: {  	[spmem:s2] =	stream.indirect.scatter.add.f32 [tilespmem:s19], [sflag:$0x2], $0x80, s22, s23, $0xb8;
	[tilespmem:$0x18100] =	vst v63  }
0x38: {  	_ =	swait.ge [sflag:s20], $0x4000  }
0x39: {  	s28 =	simm.s32 $0x20;
	s26 =	simm.s32 $0x10;
	[sflag:s20] =	ssyncset.done $0x0  }
.LBB2_2:
0x3a: {  	s29 =	sadd.s32 s26, s18  }
0x3b: {  	[sflag:s20] =	ssyncadd.s32 $0xFFFFC000;
	s30 =	smov.u32 s28;
	s31 =	sadd.s32 $0x10, s28  }
0x3c: {  	[tilespmem:s21], [sflag:$0x2] =	stream.linear.gather [hbm4b:s29+s3], $0x80, $0x38;
	[tilespmem:$0x18100] =	vst v63  }
0x3d: {  	p0 =	sne.s32 s28, $0x4E0;
	_ =	swait.ge [sflag:s20], $0x80  }
0x3e: {  	[sflag:s20] =	ssyncset.done $0x0  }
0x3f: {  	s28 =	sadd.s32 s26, s17;
	s26 =	smov.u32 s30;
	[sflag:s20] =	ssyncadd.s32 $0xFFFFFF80  }
0x40: {  	[tilespmem:s22], [sflag:$0x2] =	stream.linear.gather [hbm4b:s28+s3], $0x80, $0x38;
	[tilespmem:$0x18100] =	vst v63  }
0x41: {  	_ =	swait.ge [sflag:s20], $0x80  }
0x42: {  	[sflag:s20] =	ssyncset.done $0x0  }
0x43: {  	[sflag:s20] =	ssyncadd.s32 $0xFFFFFF80  }
0x44: {  	[tilespmem:s19], [sflag:$0x1] =	stream.indirect.gather [hbm4b:s4+s23], $0x80, s21, s23, $0xb8;
	[tilespmem:$0x18100] =	vst v63  }
0x45: {  	_ =	swait.ge [sflag:s24], $0x4000  }
.Ltmp0:
0x46: {  	[sflag:s24] =	ssyncset.done $0x0;
	(pc) =	sbr.rel @p0 .LBB2_2-.Ltmp0, $4  }
0x47: {  	[sflag:s24] =	ssyncadd.s32 $0xFFFFC000  }
0x48: {  	[spmem:s2] =	stream.indirect.scatter.add.f32 [tilespmem:s19], [sflag:$0x2], $0x80, s22, s23, $0xb8;
	[tilespmem:$0x18100] =	vst v63  }
0x49: {  	_ =	swait.ge [sflag:s20], $0x4000  }
0x4a: {  	s28 =	smov.u32 s31;
	[sflag:s20] =	ssyncset.done $0x0  }
0x4b: {  	s28 =	sadd.s32 s26, s18;
	[sflag:s20] =	ssyncadd.s32 $0xFFFFC000  }
0x4c: {  	[tilespmem:s21], [sflag:$0x2] =	stream.linear.gather [hbm4b:s28+s3], $0x80, $0x38;
	[tilespmem:$0x18100] =	vst v63  }
0x4d: {  	_ =	swait.ge [sflag:s20], $0x80  }
0x4e: {  	[sflag:s20] =	ssyncset.done $0x0  }
0x4f: {  	s31 =	sadd.s32 s26, s17;
	[sflag:s20] =	ssyncadd.s32 $0xFFFFFF80  }
0x50: {  	[tilespmem:s22], [sflag:$0x2] =	stream.linear.gather [hbm4b:s31+s3], $0x80, $0x38;
	[tilespmem:$0x18100] =	vst v63  }
0x51: {  	_ =	swait.ge [sflag:s20], $0x80  }
0x52: {  	[sflag:s20] =	ssyncset.done $0x0  }
0x53: {  	[sflag:s20] =	ssyncadd.s32 $0xFFFFFF80  }
0x54: {  	[tilespmem:s19], [sflag:$0x1] =	stream.indirect.gather [hbm4b:s4+s23], $0x80, s21, s23, $0xb8;
	[tilespmem:$0x18100] =	vst v63  }
0x55: {  	_ =	swait.ge [sflag:s24], $0x4000  }
0x56: {  	[sflag:s24] =	ssyncset.done $0x0  }
0x57: {  	[sflag:s24] =	ssyncadd.s32 $0xFFFFC000  }
0x58: {  	[spmem:s2] =	stream.indirect.scatter.add.f32 [tilespmem:s19], [sflag:$0x2], $0x80, s22, s23, $0xb8;
	[tilespmem:$0x18100] =	vst v63  }
0x59: {  	_ =	swait.ge [sflag:s20], $0x4000  }
0x5a: {  	[sflag:s20] =	ssyncset.done $0x0  }
0x5b: {  	[sflag:s20] =	ssyncadd.s32 $0xFFFFC000  }
0x5c: {  	[bflag:$0x0] =	sbarrier.arrive $0xFFFF  }
0x5d: {  	[tilespmem:s19], [sflag:$0x2] =	stream.linear.gather [spmem:s6], $0x4000, $0x38;
	[tilespmem:$0x18100] =	vst v63  }
0x5e: {  	_ =	swait.ge [sflag:s20], $0x4000  }
0x5f: {  	[sflag:s20] =	ssyncset.done $0x0  }
0x60: {  	[sflag:s20] =	ssyncadd.s32 $0xFFFFC000  }
0x61: {  	[hbm4b:s11+s3] =	stream.linear.scatter [tilespmem:s19], [sflag:$0x2], $0x4000, $0x38;
	[tilespmem:$0x18100] =	vst v63  }
0x62: {  	_ =	swait.ge [sflag:s20], $0x4000  }
0x63: {  	[sflag:s20] =	ssyncset.done $0x0  }
0x64: {  	[sflag:s20] =	ssyncadd.s32 $0xFFFFC000  }
0x65: {  	[tilespmem:s19], [sflag:$0x2] =	stream.linear.gather [spmem:s7], $0x4000, $0x38;
	[tilespmem:$0x18100] =	vst v63  }
0x66: {  	_ =	swait.ge [sflag:s20], $0x4000  }
0x67: {  	[sflag:s20] =	ssyncset.done $0x0  }
0x68: {  	[sflag:s20] =	ssyncadd.s32 $0xFFFFC000  }
0x69: {  	[hbm4b:s12+s3] =	stream.linear.scatter [tilespmem:s19], [sflag:$0x2], $0x4000, $0x38;
	[tilespmem:$0x18100] =	vst v63  }
0x6a: {  	_ =	swait.ge [sflag:s20], $0x4000  }
0x6b: {  	[sflag:s20] =	ssyncset.done $0x0  }
0x6c: {  	[sflag:s20] =	ssyncadd.s32 $0xFFFFC000  }
0x6d: {  	[tilespmem:s19], [sflag:$0x2] =	stream.linear.gather [spmem:s8], $0x4000, $0x38;
	[tilespmem:$0x18100] =	vst v63  }
0x6e: {  	_ =	swait.ge [sflag:s20], $0x4000  }
0x6f: {  	[sflag:s20] =	ssyncset.done $0x0  }
0x70: {  	[sflag:s20] =	ssyncadd.s32 $0xFFFFC000  }
0x71: {  	[hbm4b:s13+s3] =	stream.linear.scatter [tilespmem:s19], [sflag:$0x2], $0x4000, $0x38;
	[tilespmem:$0x18100] =	vst v63  }
0x72: {  	_ =	swait.ge [sflag:s20], $0x4000  }
0x73: {  	[sflag:s20] =	ssyncset.done $0x0  }
0x74: {  	[sflag:s20] =	ssyncadd.s32 $0xFFFFC000  }
0x75: {  	[tilespmem:s19], [sflag:$0x2] =	stream.linear.gather [spmem:s9], $0x4000, $0x38;
	[tilespmem:$0x18100] =	vst v63  }
0x76: {  	_ =	swait.ge [sflag:s20], $0x4000  }
0x77: {  	[sflag:s20] =	ssyncset.done $0x0  }
0x78: {  	[sflag:s20] =	ssyncadd.s32 $0xFFFFC000  }
0x79: {  	[hbm4b:s14+s3] =	stream.linear.scatter [tilespmem:s19], [sflag:$0x2], $0x4000, $0x38;
	[tilespmem:$0x18100] =	vst v63  }
0x7a: {  	_ =	swait.ge [sflag:s20], $0x4000  }
0x7b: {  	[sflag:s20] =	ssyncset.done $0x0  }
0x7c: {  	[sflag:s20] =	ssyncadd.s32 $0xFFFFC000  }
0x7d: {  	[tilespmem:s19], [sflag:$0x2] =	stream.linear.gather [spmem:s10], $0x4000, $0x38;
	[tilespmem:$0x18100] =	vst v63  }
0x7e: {  	s25 =	sadd.s32 $0x1, s25;
	_ =	swait.ge [sflag:s20], $0x4000  }
0x7f: {  	p0 =	sne.s32 s25, s16;
	[sflag:s20] =	ssyncset.done $0x0  }
.Ltmp1:
0x80: {  	[sflag:s20] =	ssyncadd.s32 $0xFFFFC000;
	(pc) =	sbr.rel @p0 .LBB2_1-.Ltmp1, $4  }
0x81: {  	[hbm4b:s15+s3] =	stream.linear.scatter [tilespmem:s19], [sflag:$0x2], $0x4000, $0x38;
	[tilespmem:$0x18100] =	vst v63  }
0x82: {  	_ =	swait.ge [sflag:s20], $0x4000  }
0x83: {  	[sflag:s20] =	ssyncset.done $0x0  }
0x84: {  	[sflag:s20] =	ssyncadd.s32 $0xFFFFC000  }
0x85: {  	_ =	sfence.sel $0x180000  }
0x86: {  	[bflag:$0x0] =	sbarrier.arrive $0xFFFF  }
0x87: {  	p0 =	sne.s32 s0, $0x0;
	_ =	strace $0x9000004D  }
0x88: {  	s0 =	sadd.s32 @!p0 $0x100000, s1;
	[bflag:$0x2] =	sbarrier.arrive $0xFFFF  }
0x89: {  	[sflag:s0] =	ssyncadd.tile.s32 @!p0 $0x1;
	_ =	shalt  }
.Lfunc_end2:
_tile_overlayer_lowered:
.L_overlay_start_2:
0x8a: {  	(tag) =	ssettag $0x2  }
0x8b: {  	s0 =	rddreg [dreg:$0x0];
	s2 =	stileid.u32  }
0x8c: {  	s1 =	rddreg [dreg:$0x1];
	p0 =	sne.s32 s2, $0x0  }
0x8d: {  	s3 =	rddreg [dreg:$0x2];
	[bflag:$0x3] =	sbarrier.arrive $0xFFFF;
	s2 =	simm.s32 @!p0 $0x1C02  }
0x8e: {  	[timem:s3], [sflag:s2] =	dma.local @!p0 [hbm:s0], s1  }
0x8f: {  	s0 =	simm.s32 @!p0 $0x2  }
0x90: {  	_ =	swait.ge @!p0 [sflag:s0], s1  }
0x91: {  	s1 =	ssub.s32 @!p0 $0x0, s1;
	[sflag:s0] =	ssyncset.done @!p0 $0x0  }
0x92: {  	[sflag:s0] =	ssyncadd.s32 @!p0 s1  }
0x93: {  	[bflag:$0x3] =	sbarrier.arrive $0xFFFF  }
0x94: {  	_ =	shalt  }

// kernel: kernel.8.cloned.1.call-start
scs
__scs_entry_jumppad:
0x0: {  	(pc) =	sbr.rel $0x88, $3  }
0x1: {  	(tag) =	ssettag $0x0;
	lr =	simm.s32 $0x1  }
0x2: {  	[smem:$0x3F95] =	sst lr;
	_ =	strace $0xD0000000  }
0x3: {  	_ = 	snop  }
0x4: {  	_ = 	snop  }
0x5: {  	_ = 	snop  }
0x6: {  	_ = 	snop  }
0x7: {  	_ = 	snop  }
__scs_overlays_trampoline_lowered:
0x8: {  	[smem:$0x3FA4] =	sst s0  }
0x9: {  	[smem:$0x3FA5] =	sst s1  }
0xa: {  	[smem:$0x3FA6] =	sst s2  }
0xb: {  	[smem:$0x3FA7] =	sst s3  }
0xc: {  	[smem:$0x3FA8] =	sst s4  }
0xd: {  	[smem:$0x3FA9] =	sst s5  }
0xe: {  	[smem:$0x3FAA] =	sst s6  }
0xf: {  	[smem:$0x3FAB] =	sst s7  }
0x10: {  	[smem:$0x3FAC] =	sst s8  }
0x11: {  	[smem:$0x3FAD] =	sst s9;
	s0 =	simm.s32 @!p0 $0x0  }
0x12: {  	s1 =	sld [smem:$0x3F93];
	s0 =	simm.s32 @p0 $0x1  }
0x13: {  	[smem:$0x3FAE] =	sst s0;
	s0 =	simm.s32 @!p1 $0x0  }
0x14: {  	s2 =	sld [smem:$0x3F92];
	s0 =	simm.s32 @p1 $0x1  }
0x15: {  	[smem:$0x3FAF] =	sst s0;
	s0 =	simm.s32 @!p2 $0x0  }
0x16: {  	s3 =	sld [smem:$0x3FDB];
	s0 =	simm.s32 @p2 $0x1  }
0x17: {  	s4 =	simm.s32 $0x1BF5;
	[smem:$0x3FB1] =	sst s0  }
0x18: {  	s0 =	sld [smem:$0x3F94];
	_ =	swait.ge [sflag:s4], $0x0  }
0x19: {  	s7 =	sld [smem:$0x3F95]  }
0x1a: {  	s8 =	sadd.s32 $0xFFFFE003, lr  }
0x1b: {  	s9 =	sadd.s32 $0xFFFFFEF7, lr;
	s5 =	simm.s32 $0xFFFFFFFF;
	p2 =	slt.u32 s8, $0xFFFFF086  }
0x1c: {  	p1 =	slt.u32 s9, $0xF7A;
	s5 =	simm.s32 @!p2 $0x0  }
0x1d: {  	s5 =	simm.s32 @p1 $0x1;
	p0 =	seq.s32 s7, s2  }
0x1e: {  	s7 =	smul.u32 @!p0 $0xF7A, s2;
	p2 =	seq.s32 @!p0 s5, $0x0  }
0x1f: {  	s9 =	smul.u32 $0xF7A, s1;
	s8 =	simm.s32 @!p0 $0x1BF5;
	p2 =	por !p2, p0  }
0x20: {  	[sflag:s8] =	ssyncset.s32 @!p0 $0xFFFFF086;
	s6 =	sadd.s32 @!p0 s3, s7;
	s7 =	simm.s32 @!p0 $0x108  }
0x21: {  	s3 =	sadd.s32 s3, s9;
	s6 =	sadd.s32 @!p0 $0x88, s6;
	s7 =	simm.s32 @p2 $0x1082  }
0x22: {  	[simem:s7], [sflag:s8] =	dma.local @!p0 [hbm:s6], $0xF7A  }
0x23: {  	s9 =	sor.u32 $0xD0000000, s2;
	s6 =	simm.s32 $0x108;
	_ =	swait.ge @!p0 [sflag:s8], $0x0  }
0x24: {  	s3 =	sadd.s32 $0x88, s3;
	s6 =	simm.s32 @!p1 $0x1082;
	[sflag:s4] =	ssyncset.s32 $0xFFFFF086  }
0x25: {  	[simem:s6], [sflag:s4] =	dma.local [hbm:s3], $0xF7A  }
0x26: {  	[smem:$0x3F95] =	sst s1;
	(tag) =	ssettag s2;
	_ =	strace s9  }
0x27: {  	s1 =	sld [smem:$0x3FA5]  }
0x28: {  	s2 =	sld [smem:$0x3FA6]  }
0x29: {  	s4 =	sld [smem:$0x3FA8]  }
0x2a: {  	p0 =	seq.s32 s5, $0x0;
	s5 =	sld [smem:$0x3FA9]  }
0x2b: {  	s6 =	sld [smem:$0x3FAA]  }
0x2c: {  	s7 =	sld [smem:$0x3FAB]  }
0x2d: {  	s3 =	simm.s32 $0x108;
	s8 =	sld [smem:$0x3FAC]  }
0x2e: {  	s3 =	simm.s32 @!p0 $0x1082;
	s9 =	sld [smem:$0x3FAD]  }
0x2f: {  	lr =	sadd.s32 s0, s3;
	s0 =	sld [smem:$0x3FA4]  }
0x30: {  	s3 =	sld [smem:$0x3FA7]  }
0x31: {  	[smem:$0x3FB0] =	sst s10  }
0x32: {  	s10 =	sld [smem:$0x3FAE];
	_ =	sdelay $0x3  }
0x33: {  	p0 =	seq.s32 s10, $0x1;
	s10 =	sld [smem:$0x3FB0];
	_ =	sdelay $0x3  }
0x34: {  	[smem:$0x3FB0] =	sst s10  }
0x35: {  	s10 =	sld [smem:$0x3FAF];
	_ =	sdelay $0x3  }
0x36: {  	p1 =	seq.s32 s10, $0x1;
	s10 =	sld [smem:$0x3FB0];
	_ =	sdelay $0x3  }
0x37: {  	[smem:$0x3FB0] =	sst s10  }
0x38: {  	s10 =	sld [smem:$0x3FB1]  }
0x39: {  	_ = 	snop;
	(pc) =	sbr.ind lr, $3  }
0x3a: {  	_ = 	snop  }
0x3b: {  	_ = 	snop  }
0x3c: {  	p2 =	seq.s32 s10, $0x1;
	s10 =	sld [smem:$0x3FB0]  }
0x3d: {  	_ =	shalt  }
0x3e: {  	_ =	shalt  }
0x3f: {  	_ =	shalt  }
0x40: {  	_ =	shalt  }
0x41: {  	_ =	shalt  }
0x42: {  	_ =	shalt  }
0x43: {  	_ =	shalt  }
0x44: {  	_ =	shalt  }
0x45: {  	_ =	shalt  }
0x46: {  	_ =	shalt  }
0x47: {  	_ =	shalt  }
0x48: {  	_ =	shalt  }
0x49: {  	_ =	shalt  }
0x4a: {  	_ =	shalt  }
0x4b: {  	_ =	shalt  }
0x4c: {  	_ =	shalt  }
0x4d: {  	_ =	shalt  }
0x4e: {  	_ =	shalt  }
0x4f: {  	_ =	shalt  }
0x50: {  	_ =	shalt  }
0x51: {  	_ =	shalt  }
0x52: {  	_ =	shalt  }
0x53: {  	_ =	shalt  }
0x54: {  	_ =	shalt  }
0x55: {  	_ =	shalt  }
0x56: {  	_ =	shalt  }
0x57: {  	_ =	shalt  }
0x58: {  	_ =	shalt  }
0x59: {  	_ =	shalt  }
0x5a: {  	_ =	shalt  }
0x5b: {  	_ =	shalt  }
0x5c: {  	_ =	shalt  }
0x5d: {  	_ =	shalt  }
0x5e: {  	_ =	shalt  }
0x5f: {  	_ =	shalt  }
0x60: {  	_ =	shalt  }
0x61: {  	_ =	shalt  }
0x62: {  	_ =	shalt  }
0x63: {  	_ =	shalt  }
0x64: {  	_ =	shalt  }
0x65: {  	_ =	shalt  }
0x66: {  	_ =	shalt  }
0x67: {  	_ =	shalt  }
0x68: {  	_ =	shalt  }
0x69: {  	_ =	shalt  }
0x6a: {  	_ =	shalt  }
0x6b: {  	_ =	shalt  }
0x6c: {  	_ =	shalt  }
0x6d: {  	_ =	shalt  }
0x6e: {  	_ =	shalt  }
0x6f: {  	_ =	shalt  }
0x70: {  	_ =	shalt  }
0x71: {  	_ =	shalt  }
0x72: {  	_ =	shalt  }
0x73: {  	_ =	shalt  }
0x74: {  	_ =	shalt  }
0x75: {  	_ =	shalt  }
0x76: {  	_ =	shalt  }
0x77: {  	_ =	shalt  }
0x78: {  	_ =	shalt  }
0x79: {  	_ =	shalt  }
0x7a: {  	_ =	shalt  }
0x7b: {  	_ =	shalt  }
0x7c: {  	_ =	shalt  }
0x7d: {  	_ =	shalt  }
0x7e: {  	_ =	shalt  }
0x7f: {  	_ =	shalt  }
0x80: {  	_ =	shalt  }
0x81: {  	_ =	shalt  }
0x82: {  	_ =	shalt  }
0x83: {  	_ =	shalt  }
0x84: {  	_ =	shalt  }
0x85: {  	_ =	shalt  }
0x86: {  	_ =	shalt  }
0x87: {  	_ =	shalt  }
.Lfunc_end0:
.L_simem_size_0:
called_computation_lowered:
.L_overlay_start_0:
0x88: {  	s2 =	sld [smem:$0x3FD9]  }
0x89: {  	s3 =	sld [smem:$0x3FFE];
	_ =	sdelay $0x1  }
0x8a: {  	s1 =	srdreg.scid  }
0x8b: {  	s0 =	sand.u32 $0x1, s1  }
0x8c: {  	s17 =	sshll.u32 s0, $0xA;
	s2 =	sadd.s32 s3, s2  }
0x8d: {  	s2 =	sadd.s32 s2, s17  }
0x8e: {  	[smem:$0x3FBC] =	sst s2  }
0x8f: {  	_ = 	snop  }
0x90: {  	s2 =	sld [smem:$0x3FD0];
	(tm) =	ssettm $0x1  }
0x91: {  	s18 =	sld [smem:$0x3FFB];
	_ =	sdelay $0x3  }
0x92: {  	_ =	strace s18  }
0x93: {  	s3 =	sld [smem:$0x3FFC];
	_ =	sdelay $0x3  }
0x94: {  	_ =	strace s3  }
0x95: {  	s3 =	sld [smem:$0x3FFD];
	_ =	sdelay $0x3  }
0x96: {  	_ =	strace s3  }
0x97: {  	_ =	strace $0x8FFFFFFF  }
0x98: {  	s19 =	sld [smem:$0x3FDB];
	_ =	sdelay $0x1  }
0x99: {  	s4 =	simm.s32 $_scs_section_size  }
0x9a: {  	s5 =	simm.s32 $_size__tile_overlayer_lowered;
	s6 =	simm.s32 $_tile_overlayer_lowered  }
0x9b: {  	s22 =	simm.s32 $0x1BFF;
	s21 =	sshll.u32 s6, $0x1;
	s3 =	sadd.s32 s4, s19  }
0x9c: {  	s7 =	simm.s32 $0x0;
	s20 =	sshll.u32 s5, $0x1;
	s5 =	sadd.s32 s21, s3  }
0x9d: {  	[timem:s7], [sflag:s22] =	dma.local [hbm:s5], s20  }
0x9e: {  	_ =	swait.ge [sflag:s22], s20  }
0x9f: {  	s4 =	ssub.s32 $0x0, s20;
	[sflag:s22] =	ssyncset.done $0x0  }
0xa0: {  	[sflag:s22] =	ssyncadd.s32 s4;
	_ =	sdelay $0x1  }
0xa1: {  	s23 =	simm.s32 $0x1B8B  }
0xa2: {  	_ =	swait.ge [sflag:s23], $0x1  }
0xa3: {  	[sflag:s23] =	ssyncset.done $0x0  }
0xa4: {  	s25 =	simm.s32 $0x1B8E;
	s24 =	sld [smem:$0x3FFE];
	[sflag:s23] =	ssyncadd.s32 $0xFFFFFFFF  }
0xa5: {  	s26 =	simm.s32 $execute0_lowered;
	[smem:$0x3FD2] =	sst s25  }
0xa6: {  	s5 =	sshll.u32 s26, $0x1;
	_ =	strace $0x80000046;
	[dreg:$0x1] =	wrdreg $0xFFFFFFFF  }
0xa7: {  	s28 =	simm.s32 $_size_execute0_lowered;
	s3 =	sadd.s32 s3, s5;
	[dreg:$0x0] =	wrdreg $0x0  }
0xa8: {  	s5 =	sshll.u32 s28, $0x1;
	[dreg:$0x2] =	wrdreg s3  }
0xa9: {  	[dreg:$0x3] =	wrdreg s5  }
0xaa: {  	[dreg:$0x4] =	wrdreg $0xC0  }
0xab: {  	_ =	task [dreg:s7], $0x5FFFF  }
0xac: {  	[dreg:$0x1] =	wrdreg $0xFFFFFFFF  }
0xad: {  	[dreg:$0x0] =	wrdreg $0x60  }
0xae: {  	[dreg:$0x2] =	wrdreg s24  }
0xaf: {  	[dreg:$0x3] =	wrdreg s2  }
0xb0: {  	[dreg:$0x4] =	wrdreg $0x0  }
0xb1: {  	[dreg:$0x5] =	wrdreg $0x9  }
0xb2: {  	_ =	task.clear_ibuf [dreg:s7], $0x6FFFF;
	_ =	strace $0x90000046  }
0xb3: {  	s29 =	simm.s32 $0x9;
	_ =	strace $0x80000048  }
0xb4: {  	_ =	swait.ge [sflag:s29], $0x1  }
0xb5: {  	[sflag:s29] =	ssyncadd.s32 $0xFFFFFFFF  }
0xb6: {  	_ =	strace $0x90000048  }
0xb7: {  	_ =	sfence  }
0xb8: {  	s30 =	sld [smem:$0x0];
	_ =	sdelay $0x2  }
0xb9: {  	s31 =	sshll.u32 s1, $0xD;
	s1 =	sshrl.u32 s1, $0x2  }
0xba: {  	s3 =	sand.u32 $0x4000, s31;
	s1 =	sadd.s32 s1, s30  }
0xbb: {  	s0 =	sor.u32 s3, s0;
	s1 =	sshll.u32 s1, $0x11  }
0xbc: {  	s0 =	sor.u32 s1, s0  }
0xbd: {  	s0 =	sadd.s32 $0x8F2B, s0  }
0xbe: {  	[sflag:s0] =	ssyncadd.remote.s32 $0x1  }
0xbf: {  	_ =	sfence.sel $0xFFFF  }
0xc0: {  	[dreg:$0x0] =	wrdreg $0xFFFFFFFF;
	(pc) =	sbr.abs _section_cstart, $3  }
0xc1: {  	[dreg:$0x1] =	wrdreg $0xFFFFFFFF  }
0xc2: {  	_ =	task.clear_ibuf [dreg:s7], $0x2FFFF;
	_ =	strace $0x9FFFFFFF  }
0xc3: {  	(tm) =	ssettm $0x7FFFFFFF  }
tec
execute0_lowered:
.L_overlay_start_1:
0x0: {  	(tag) =	ssettag $0x1  }
0x1: {  	s6 =	rddreg [dreg:$0x0]  }
0x2: {  	s2 =	rddreg [dreg:$0x1]  }
0x3: {  	s0 =	srdreg.scid;
	s3 =	rddreg [dreg:$0x2]  }
0x4: {  	s1 =	rddreg [dreg:$0x3];
	s7 =	sand.u32 $0x1, s0  }
0x5: {  	s0 =	stileid.u32;
	s5 =	smul.u32 $0x4F000, s7  }
0x6: {  	s4 =	simm.s32 $0x0;
	s18 =	simm.s32 $0x18080;
	s8 =	smul.u32 $0x4F00, s0  }
0x7: {  	s19 =	simm.s32 $0x1;
	s20 =	simm.s32 $0x14000;
	s9 =	smul.u32 $0x280, s0  }
0x8: {  	s21 =	simm.s32 $0x18000;
	s22 =	simm.s32 $0x80;
	s29 =	smul.u32 $0x2800, s7  }
0x9: {  	s23 =	simm.s32 $0x0;
	s10 =	smul.u32 $0x50000, s0;
	s7 =	ssub.s32 $0x2, s7  }
0xa: {  	[smem:$0x7FF] =	sst s4;
	s31 =	sshrl.u32 s7, $0x1;
	s5 =	sadd.s32 s8, s5  }
0xb: {  	s8 =	sadd.s32 s9, s29;
	s30 =	sshrl.u32 s10, $0x2;
	s5 =	sshrl.u32 s5, $0x3  }
0xc: {  	s16 =	ssub.s32 s7, s31;
	s8 =	sshll.u32 s8, $0x4;
	s17 =	sadd.s32 s5, s6  }
0xd: {  	s5 =	sadd.s32 $0x17C00, s6;
	s15 =	sadd.s32 s8, s6;
	s6 =	sadd.s32 s30, s3  }
0xe: {  	_ =	strace $0x80000047;
	s16 =	smax.u32 s16, $0x1;
	s7 =	sadd.s32 $0x4000, s6  }
0xf: {  	s8 =	sadd.s32 $0x8000, s6;
	s9 =	sadd.s32 $0xC000, s6;
	s10 =	sadd.s32 $0x10000, s6  }
0x10: {  	s11 =	sadd.s32 $0x18400, s15;
	s12 =	sadd.s32 $0x18C00, s15;
	s13 =	sadd.s32 $0x19400, s15  }
0x11: {  	s14 =	sadd.s32 $0x19C00, s15;
	s15 =	sadd.s32 $0x1A400, s15;
	s17 =	sadd.s32 $0x4000, s17  }
.LBB2_1:
0x12: {  	[tilespmem:s18], [sflag:$0x1] =	stream.linear.gather [hbm4b:s5+s4], $0x4000, $0x38;
	[tilespmem:$0x1C080] =	vst v63  }
0x13: {  	_ =	swait.ge [sflag:s19], $0x4000  }
0x14: {  	[sflag:s19] =	ssyncset.done $0x0  }
0x15: {  	[sflag:s19] =	ssyncadd.s32 $0xFFFFC000  }
0x16: {  	[spmem:s6] =	stream.linear.scatter [tilespmem:s18], [sflag:$0x1], $0x4000, $0x38;
	[tilespmem:$0x1C080] =	vst v63  }
0x17: {  	_ =	swait.ge [sflag:s19], $0x4000  }
0x18: {  	[sflag:s19] =	ssyncset.done $0x0  }
0x19: {  	[sflag:s19] =	ssyncadd.s32 $0xFFFFC000  }
0x1a: {  	[spmem:s7] =	stream.linear.scatter [tilespmem:s18], [sflag:$0x1], $0x4000, $0x38;
	[tilespmem:$0x1C080] =	vst v63  }
0x1b: {  	_ =	swait.ge [sflag:s19], $0x4000  }
0x1c: {  	[sflag:s19] =	ssyncset.done $0x0  }
0x1d: {  	[sflag:s19] =	ssyncadd.s32 $0xFFFFC000  }
0x1e: {  	[spmem:s8] =	stream.linear.scatter [tilespmem:s18], [sflag:$0x1], $0x4000, $0x38;
	[tilespmem:$0x1C080] =	vst v63  }
0x1f: {  	_ =	swait.ge [sflag:s19], $0x4000  }
0x20: {  	[sflag:s19] =	ssyncset.done $0x0  }
0x21: {  	[sflag:s19] =	ssyncadd.s32 $0xFFFFC000  }
0x22: {  	[spmem:s9] =	stream.linear.scatter [tilespmem:s18], [sflag:$0x1], $0x4000, $0x38;
	[tilespmem:$0x1C080] =	vst v63  }
0x23: {  	_ =	swait.ge [sflag:s19], $0x4000  }
0x24: {  	[sflag:s19] =	ssyncset.done $0x0  }
0x25: {  	[sflag:s19] =	ssyncadd.s32 $0xFFFFC000  }
0x26: {  	[spmem:s10] =	stream.linear.scatter [tilespmem:s18], [sflag:$0x1], $0x4000, $0x38;
	[tilespmem:$0x1C080] =	vst v63  }
0x27: {  	_ =	swait.ge [sflag:s19], $0x4000  }
0x28: {  	[sflag:s19] =	ssyncset.done $0x0  }
0x29: {  	[sflag:s19] =	ssyncadd.s32 $0xFFFFC000  }
0x2a: {  	[tilespmem:s20], [sflag:$0x1] =	stream.linear.gather [hbm4b:s2+s4], $0x4000, $0x38;
	[tilespmem:$0x1C080] =	vst v63  }
0x2b: {  	_ =	swait.ge [sflag:s19], $0x4000  }
0x2c: {  	[sflag:s19] =	ssyncset.done $0x0  }
0x2d: {  	[sflag:s19] =	ssyncadd.s32 $0xFFFFC000  }
0x2e: {  	s24 =	sadd.s32 $0x0, s17;
	[bflag:$0x0] =	sbarrier.arrive $0xFFFF  }
0x2f: {  	[tilespmem:s21], [sflag:$0x1] =	stream.linear.gather [hbm4b:s24+s4], $0x80, $0x38;
	[tilespmem:$0x1C080] =	vst v63  }
0x30: {  	_ =	swait.ge [sflag:s19], $0x80  }
0x31: {  	[sflag:s19] =	ssyncset.done $0x0  }
0x32: {  	[sflag:s19] =	ssyncadd.s32 $0xFFFFFF80  }
0x33: {  	[spmem:s3] =	stream.indirect.scatter.add.f32 [tilespmem:s20], [sflag:$0x1], $0x80, s21, s22, $0xb8;
	[tilespmem:$0x1C080] =	vst v63  }
0x34: {  	_ =	swait.ge [sflag:s19], $0x4000  }
0x35: {  	s25 =	simm.s32 $0x20;
	s24 =	simm.s32 $0x10;
	[sflag:s19] =	ssyncset.done $0x0  }
.LBB2_2:
0x36: {  	s26 =	sadd.s32 s24, s17  }
0x37: {  	[sflag:s19] =	ssyncadd.s32 $0xFFFFC000;
	s24 =	smov.u32 s25;
	s28 =	sadd.s32 $0x10, s25  }
0x38: {  	[tilespmem:s21], [sflag:$0x1] =	stream.linear.gather [hbm4b:s26+s4], $0x80, $0x38;
	[tilespmem:$0x1C080] =	vst v63  }
0x39: {  	p0 =	sne.s32 s25, $0x9D0;
	_ =	swait.ge [sflag:s19], $0x80  }
.Ltmp0:
0x3a: {  	[sflag:s19] =	ssyncset.done $0x0;
	(pc) =	sbr.rel @p0 .LBB2_2-.Ltmp0, $4  }
0x3b: {  	[sflag:s19] =	ssyncadd.s32 $0xFFFFFF80  }
0x3c: {  	[spmem:s3] =	stream.indirect.scatter.add.f32 [tilespmem:s20], [sflag:$0x1], $0x80, s21, s22, $0xb8;
	[tilespmem:$0x1C080] =	vst v63  }
0x3d: {  	_ =	swait.ge [sflag:s19], $0x4000  }
0x3e: {  	s25 =	smov.u32 s28;
	[sflag:s19] =	ssyncset.done $0x0  }
0x3f: {  	s24 =	sadd.s32 s24, s17;
	[sflag:s19] =	ssyncadd.s32 $0xFFFFC000  }
0x40: {  	[tilespmem:s21], [sflag:$0x1] =	stream.linear.gather [hbm4b:s24+s4], $0x80, $0x38;
	[tilespmem:$0x1C080] =	vst v63  }
0x41: {  	_ =	swait.ge [sflag:s19], $0x80  }
0x42: {  	[sflag:s19] =	ssyncset.done $0x0  }
0x43: {  	[sflag:s19] =	ssyncadd.s32 $0xFFFFFF80  }
0x44: {  	[spmem:s3] =	stream.indirect.scatter.add.f32 [tilespmem:s20], [sflag:$0x1], $0x80, s21, s22, $0xb8;
	[tilespmem:$0x1C080] =	vst v63  }
0x45: {  	_ =	swait.ge [sflag:s19], $0x4000  }
0x46: {  	[sflag:s19] =	ssyncset.done $0x0  }
0x47: {  	[sflag:s19] =	ssyncadd.s32 $0xFFFFC000  }
0x48: {  	[bflag:$0x0] =	sbarrier.arrive $0xFFFF  }
0x49: {  	[tilespmem:s18], [sflag:$0x1] =	stream.linear.gather [spmem:s6], $0x4000, $0x38;
	[tilespmem:$0x1C080] =	vst v63  }
0x4a: {  	_ =	swait.ge [sflag:s19], $0x4000  }
0x4b: {  	[sflag:s19] =	ssyncset.done $0x0  }
0x4c: {  	[sflag:s19] =	ssyncadd.s32 $0xFFFFC000  }
0x4d: {  	[hbm4b:s11+s4] =	stream.linear.scatter [tilespmem:s18], [sflag:$0x1], $0x4000, $0x38;
	[tilespmem:$0x1C080] =	vst v63  }
0x4e: {  	_ =	swait.ge [sflag:s19], $0x4000  }
0x4f: {  	[sflag:s19] =	ssyncset.done $0x0  }
0x50: {  	[sflag:s19] =	ssyncadd.s32 $0xFFFFC000  }
0x51: {  	[tilespmem:s18], [sflag:$0x1] =	stream.linear.gather [spmem:s7], $0x4000, $0x38;
	[tilespmem:$0x1C080] =	vst v63  }
0x52: {  	_ =	swait.ge [sflag:s19], $0x4000  }
0x53: {  	[sflag:s19] =	ssyncset.done $0x0  }
0x54: {  	[sflag:s19] =	ssyncadd.s32 $0xFFFFC000  }
0x55: {  	[hbm4b:s12+s4] =	stream.linear.scatter [tilespmem:s18], [sflag:$0x1], $0x4000, $0x38;
	[tilespmem:$0x1C080] =	vst v63  }
0x56: {  	_ =	swait.ge [sflag:s19], $0x4000  }
0x57: {  	[sflag:s19] =	ssyncset.done $0x0  }
0x58: {  	[sflag:s19] =	ssyncadd.s32 $0xFFFFC000  }
0x59: {  	[tilespmem:s18], [sflag:$0x1] =	stream.linear.gather [spmem:s8], $0x4000, $0x38;
	[tilespmem:$0x1C080] =	vst v63  }
0x5a: {  	_ =	swait.ge [sflag:s19], $0x4000  }
0x5b: {  	[sflag:s19] =	ssyncset.done $0x0  }
0x5c: {  	[sflag:s19] =	ssyncadd.s32 $0xFFFFC000  }
0x5d: {  	[hbm4b:s13+s4] =	stream.linear.scatter [tilespmem:s18], [sflag:$0x1], $0x4000, $0x38;
	[tilespmem:$0x1C080] =	vst v63  }
0x5e: {  	_ =	swait.ge [sflag:s19], $0x4000  }
0x5f: {  	[sflag:s19] =	ssyncset.done $0x0  }
0x60: {  	[sflag:s19] =	ssyncadd.s32 $0xFFFFC000  }
0x61: {  	[tilespmem:s18], [sflag:$0x1] =	stream.linear.gather [spmem:s9], $0x4000, $0x38;
	[tilespmem:$0x1C080] =	vst v63  }
0x62: {  	_ =	swait.ge [sflag:s19], $0x4000  }
0x63: {  	[sflag:s19] =	ssyncset.done $0x0  }
0x64: {  	[sflag:s19] =	ssyncadd.s32 $0xFFFFC000  }
0x65: {  	[hbm4b:s14+s4] =	stream.linear.scatter [tilespmem:s18], [sflag:$0x1], $0x4000, $0x38;
	[tilespmem:$0x1C080] =	vst v63  }
0x66: {  	_ =	swait.ge [sflag:s19], $0x4000  }
0x67: {  	[sflag:s19] =	ssyncset.done $0x0  }
0x68: {  	[sflag:s19] =	ssyncadd.s32 $0xFFFFC000  }
0x69: {  	[tilespmem:s18], [sflag:$0x1] =	stream.linear.gather [spmem:s10], $0x4000, $0x38;
	[tilespmem:$0x1C080] =	vst v63  }
0x6a: {  	s23 =	sadd.s32 $0x1, s23;
	_ =	swait.ge [sflag:s19], $0x4000  }
0x6b: {  	p0 =	sne.s32 s23, s16;
	[sflag:s19] =	ssyncset.done $0x0  }
.Ltmp1:
0x6c: {  	[sflag:s19] =	ssyncadd.s32 $0xFFFFC000;
	(pc) =	sbr.rel @p0 .LBB2_1-.Ltmp1, $4  }
0x6d: {  	[hbm4b:s15+s4] =	stream.linear.scatter [tilespmem:s18], [sflag:$0x1], $0x4000, $0x38;
	[tilespmem:$0x1C080] =	vst v63  }
0x6e: {  	_ =	swait.ge [sflag:s19], $0x4000  }
0x6f: {  	[sflag:s19] =	ssyncset.done $0x0  }
0x70: {  	[sflag:s19] =	ssyncadd.s32 $0xFFFFC000  }
0x71: {  	_ =	sfence.sel $0x180000  }
0x72: {  	[bflag:$0x0] =	sbarrier.arrive $0xFFFF  }
0x73: {  	p0 =	sne.s32 s0, $0x0;
	_ =	strace $0x90000047  }
0x74: {  	s0 =	sadd.s32 @!p0 $0x100000, s1;
	[bflag:$0x2] =	sbarrier.arrive $0xFFFF  }
0x75: {  	[sflag:s0] =	ssyncadd.tile.s32 @!p0 $0x1;
	_ =	shalt  }
.Lfunc_end2:
_tile_overlayer_lowered:
.L_overlay_start_2:
0x76: {  	(tag) =	ssettag $0x2  }
0x77: {  	s0 =	rddreg [dreg:$0x0];
	s2 =	stileid.u32  }
0x78: {  	s1 =	rddreg [dreg:$0x1];
	p0 =	sne.s32 s2, $0x0  }
0x79: {  	s3 =	rddreg [dreg:$0x2];
	[bflag:$0x3] =	sbarrier.arrive $0xFFFF;
	s2 =	simm.s32 @!p0 $0x1C01  }
0x7a: {  	[timem:s3], [sflag:s2] =	dma.local @!p0 [hbm:s0], s1  }
0x7b: {  	s0 =	simm.s32 @!p0 $0x1  }
0x7c: {  	_ =	swait.ge @!p0 [sflag:s0], s1  }
0x7d: {  	s1 =	ssub.s32 @!p0 $0x0, s1;
	[sflag:s0] =	ssyncset.done @!p0 $0x0  }
0x7e: {  	[sflag:s0] =	ssyncadd.s32 @!p0 s1  }
0x7f: {  	[bflag:$0x3] =	sbarrier.arrive $0xFFFF  }
0x80: {  	_ =	shalt  }

</sc_bundles>
